<compile_context>
chip_gen: v7x
topology: tpu7x:2x2x1
jax: 0.10.2.dev20260603
libtpu: 0.0.44.dev20260713+nightly
codegen_flags: <defaults>
</compile_context>

<pallas_src>
import functools

import jax
import jax.numpy as jnp
from jax import lax
from jax.experimental import pallas as pl
from jax.experimental.pallas import tpu as pltpu
from jax.experimental.pallas import tpu_sc as plsc

_N = 100000
_E = 1600000
_T = 10
_L = 12
_NTILES = 16
_NCORES = 2
_NPAD = 100096
_SL = _NPAD // _NTILES
_NV = _SL // 16
_CE = 6400
_EPT = 51200
_NCHUNK = _EPT // _CE
_EPAD = _EPT * _NTILES * _NCORES


def _sc_body(src_hbm, dst_hbm, x_hbm, scale_hbm, out_hbm, xdiff_hbm,
             q_sh, ypos_sh, yneg_sh,
             srcb0, srcb1, srcb2, dstb0, dstb1, dstb2, qs0, qs1, qd0, qd1,
             dinv2_v, sdeg_v, pacc_v, ytp, ytn, zeros_v, scale_v,
             sem_ld0, sem_ld1, sem_ld2, sem_g0, sem_g1, sem_s0, sem_s1,
             sem_p0, sem_p1, sem_p2, sem_x):
    cid = lax.axis_index("c")
    wid = lax.axis_index("s")
    base_n = wid * _SL
    base_e = (cid * _NTILES + wid) * _EPT
    nsl = pl.ds(base_n, _SL)
    own_deg = pl.ds((2 * _NCORES + cid) * _NPAD + base_n, _SL)
    mir_deg = pl.ds((2 * _NCORES + 1 - cid) * _NPAD + base_n, _SL)
    srcb = (srcb0, srcb1, srcb2)
    dstb = (dstb0, dstb1, dstb2)
    qs = (qs0, qs1)
    qd = (qd0, qd1)
    sem_ld = (sem_ld0, sem_ld1, sem_ld2)
    sem_g = (sem_g0, sem_g1)
    sem_s = (sem_s0, sem_s1)

    def _cross_handshake():
        pl.semaphore_signal(sem_x, 1, core_index=1 - cid)
        pl.semaphore_wait(sem_x, 1)

    pltpu.sync_copy(scale_hbm, scale_v)

    def _zero_loop(j, c):
        zeros_v[pl.ds(j * 16, 16)] = jnp.zeros((16,), jnp.float32)
        return c
    lax.fori_loop(0, _NV, _zero_loop, 0)

    def _ones_loop(j, c):
        qs0[pl.ds(j * 16, 16)] = jnp.ones((16,), jnp.float32)
        return c
    lax.fori_loop(0, _CE // 16, _ones_loop, 0)

    pltpu.sync_copy(zeros_v, ypos_sh.at[nsl])
    pltpu.sync_copy(zeros_v, yneg_sh.at[nsl])
    plsc.subcore_barrier()

    def _deg_loop(i, c):
        pltpu.sync_copy(dst_hbm.at[pl.ds(base_e + i * _CE, _CE)], dstb0)
        pltpu.sync_copy(qs0, ypos_sh.at[dstb0], add=True)
        return c
    lax.fori_loop(0, _NCHUNK, _deg_loop, 0)
    plsc.subcore_barrier()

    pltpu.sync_copy(ypos_sh.at[nsl], ytp)
    pltpu.sync_copy(ytp, xdiff_hbm.at[own_deg])
    pltpu.sync_copy(zeros_v, ypos_sh.at[nsl])
    _cross_handshake()
    pltpu.sync_copy(xdiff_hbm.at[mir_deg], ytn)
    pltpu.sync_copy(x_hbm.at[nsl], qs1.at[pl.ds(0, _SL)])

    def _init_loop(j, c):
        s = pl.ds(j * 16, 16)
        deg16 = ytp[s] + ytn[s] + 1.0
        dinv2_v[s] = 1.0 / deg16
        bits = lax.bitcast_convert_type(deg16, jnp.int32)
        y = lax.bitcast_convert_type(jnp.int32(0x5F3759DF) - (bits >> 1),
                                     jnp.float32)
        for _ in range(4):
            y = y * (1.5 - 0.5 * deg16 * y * y)
        sdeg_v[s] = deg16 * y
        p0 = qs1[s] * y
        pacc_v[s] = p0
        ytn[s] = p0
        return c
    lax.fori_loop(0, _NV, _init_loop, 0)

    pltpu.sync_copy(ytn, q_sh.at[nsl])

    def _ld_pair(i):
        bi = i % 3
        r = pl.ds(base_e + i * _CE, _CE)
        d1 = pltpu.make_async_copy(src_hbm.at[r], srcb[bi], sem_ld[bi])
        d2 = pltpu.make_async_copy(dst_hbm.at[r], dstb[bi], sem_ld[bi])
        return (d1, d2)

    def _fire_ld(i):
        d = _ld_pair(i)
        d[0].start()
        d[1].start()
        return d

    _fire_ld(0)
    _fire_ld(1)
    plsc.subcore_barrier()

    def _app_loop(a, c):
        sc16 = plsc.load_gather(scale_v, [jnp.full((16,), a, dtype=jnp.int32)])

        ld_desc = {0: _ld_pair(0), 1: _ld_pair(1)}
        for i in (0, 1):
            ld_desc[i][0].wait()
            ld_desc[i][1].wait()
        sc_desc = {}
        for i in range(0):
            bi = i % 3
            bv = i % 2
            if i >= 2:
                sc_desc[i - 2][0].wait()
                sc_desc[i - 2][1].wait()
            if 2 <= i + 1 < _NCHUNK:
                ld_desc[i + 1] = _fire_ld(i + 1)
            ld_desc[i][0].wait()
            ld_desc[i][1].wait()
            g1 = pltpu.async_copy(q_sh.at[srcb[bi]], qs[bv], sem_g[bv])
            g2 = pltpu.async_copy(q_sh.at[dstb[bi]], qd[bv], sem_g[bv])
            g1.wait()
            g2.wait()
            s1 = pltpu.async_copy(qs[bv], ypos_sh.at[dstb[bi]], sem_s[bv],
                                  add=True)
            s2 = pltpu.async_copy(qd[bv], yneg_sh.at[srcb[bi]], sem_s[bv],
                                  add=True)
            sc_desc[i] = (s1, s2)
        for i in ():
            sc_desc[i][0].wait()
            sc_desc[i][1].wait()
        _fire_ld(0)
        _fire_ld(1)
        plsc.subcore_barrier()

        da = pltpu.async_copy(ypos_sh.at[nsl], ytp, sem_p0)
        db = pltpu.async_copy(yneg_sh.at[nsl], ytn, sem_p1)
        da.wait()
        db.wait()
        z1 = pltpu.async_copy(zeros_v, ypos_sh.at[nsl], sem_p0)
        z2 = pltpu.async_copy(zeros_v, yneg_sh.at[nsl], sem_p1)

        def _diff_loop(j, cc):
            s = pl.ds(j * 16, 16)
            ytp[s] = ytp[s] - ytn[s]
            return cc
        lax.fori_loop(0, _NV, _diff_loop, 0)

        par = a % 2
        own_x = pl.ds((par * _NCORES + cid) * _NPAD + base_n, _SL)
        mir_x = pl.ds((par * _NCORES + 1 - cid) * _NPAD + base_n, _SL)
        xw = pltpu.async_copy(ytp, xdiff_hbm.at[own_x], sem_p2)
        xw.wait()
        _cross_handshake()
        xr = pltpu.async_copy(xdiff_hbm.at[mir_x], ytn, sem_p2)
        xr.wait()

        is_end16 = jnp.full((16,), a % _T, jnp.int32) == (_T - 1)

        def _pw_loop(j, cc):
            s = pl.ds(j * 16, 16)
            p16 = sc16 * dinv2_v[s] * (ytp[s] + ytn[s])
            acc16 = pacc_v[s] + p16
            pacc_v[s] = acc16
            ytp[s] = jnp.where(is_end16, acc16, p16)
            return cc
        lax.fori_loop(0, _NV, _pw_loop, 0)

        wq = pltpu.async_copy(ytp, q_sh.at[nsl], sem_p2)
        z1.wait()
        z2.wait()
        wq.wait()
        plsc.subcore_barrier()
        return c
    lax.fori_loop(0, _L * _T, _app_loop, 0)

    for i in (0, 1):
        d = _ld_pair(i)
        d[0].wait()
        d[1].wait()

    def _out_loop(j, c):
        s = pl.ds(j * 16, 16)
        ytp[s] = sdeg_v[s] * pacc_v[s]
        return c
    lax.fori_loop(0, _NV, _out_loop, 0)

    @pl.when(cid == 0)
    def _():
        pltpu.sync_copy(ytp, out_hbm.at[nsl])


_sc_call = functools.partial(
    pl.kernel,
    out_type=(jax.ShapeDtypeStruct((_NPAD,), jnp.float32),
              jax.ShapeDtypeStruct((3 * _NCORES * _NPAD,), jnp.float32)),
    mesh=plsc.VectorSubcoreMesh(
        core_axis_name="c", subcore_axis_name="s", num_cores=_NCORES),
    compiler_params=pltpu.CompilerParams(needs_layout_passes=False),
    scratch_types=[
        pltpu.VMEM_SHARED((_NPAD,), jnp.float32),
        pltpu.VMEM_SHARED((_NPAD,), jnp.float32),
        pltpu.VMEM_SHARED((_NPAD,), jnp.float32),
        pltpu.VMEM((_CE,), jnp.int32),
        pltpu.VMEM((_CE,), jnp.int32),
        pltpu.VMEM((_CE,), jnp.int32),
        pltpu.VMEM((_CE,), jnp.int32),
        pltpu.VMEM((_CE,), jnp.int32),
        pltpu.VMEM((_CE,), jnp.int32),
        pltpu.VMEM((_CE,), jnp.float32),
        pltpu.VMEM((_CE,), jnp.float32),
        pltpu.VMEM((_CE,), jnp.float32),
        pltpu.VMEM((_CE,), jnp.float32),
        pltpu.VMEM((_SL,), jnp.float32),
        pltpu.VMEM((_SL,), jnp.float32),
        pltpu.VMEM((_SL,), jnp.float32),
        pltpu.VMEM((_SL,), jnp.float32),
        pltpu.VMEM((_SL,), jnp.float32),
        pltpu.VMEM((_SL,), jnp.float32),
        pltpu.VMEM((128,), jnp.float32),
        pltpu.SemaphoreType.DMA,
        pltpu.SemaphoreType.DMA,
        pltpu.SemaphoreType.DMA,
        pltpu.SemaphoreType.DMA,
        pltpu.SemaphoreType.DMA,
        pltpu.SemaphoreType.DMA,
        pltpu.SemaphoreType.DMA,
        pltpu.SemaphoreType.DMA,
        pltpu.SemaphoreType.DMA,
        pltpu.SemaphoreType.DMA,
        pltpu.SemaphoreType.REGULAR,
    ],
)(_sc_body)


def kernel(x, edge_index, theta):
    xf = jnp.pad(x.reshape(_N), (0, _NPAD - _N))
    padi = jnp.full((_EPAD - _E,), _NPAD - 1, jnp.int32)
    src2 = jnp.concatenate([edge_index[0], padi])
    dst2 = jnp.concatenate([edge_index[1], padi])
    a_idx = jnp.arange(_L * _T)
    scales = theta[a_idx // _T] / (a_idx % _T + 1).astype(jnp.float32)
    scales = jnp.pad(scales, (0, 128 - _L * _T))
    out, _ = _sc_call(src2, dst2, xf, scales)
    return out[:_N].reshape(_N, 1, 1)

# --- scband reference (transcript-rebuilt; emitter-appended) ---
"""Pipeline reference for scband-uni-75076028334696 (READ-ONLY COPY).

The authoritative reference and input builder live on the scoring server;
editing this copy changes nothing except your own understanding.
"""

import jax, jax.numpy as jnp
import numpy as np

N = 100000
E = 1600000
T = 10
L = 12


def setup_inputs(seed: int = 0) -> dict:
    key = jax.random.key(seed)
    k1, k2, k3 = jax.random.split(key, 3)
    x = jax.random.normal(k1, (N, 1, 1), dtype=jnp.float32)
    edge_index = jax.random.randint(k2, (2, E), 0, N, dtype=jnp.int32)
    # 12 orthogonal-GCN layers, each with a scalar (1->1 channel) spectral weight theta
    theta = jax.random.normal(k3, (L,), dtype=jnp.float32) * 0.1
    return {"x": x, "edge_index": edge_index, "theta": theta}


def reference(x, edge_index, theta):
    # Uni.forward: x = data.x.squeeze(-1); 12 OrthogonalGCNConvLayer(1,1,T=10,use_hermitian=True,
    # residual=False, global_bias=False, activation=Identity); return x[:, :, None].
    # Each layer applies a unitary/orthogonal propagation exp(theta_l * S) truncated at T Taylor
    # terms, where S is the skew-symmetric (Hermitian-derived) normalized adjacency operator.
    n = x.shape[0]
    h = jnp.squeeze(x, -1)  # [N, 1]
    src = edge_index[0]
    dst = edge_index[1]
    # add_self_loops=True
    loop = jnp.arange(n, dtype=src.dtype)
    src = jnp.concatenate([src, loop])
    dst = jnp.concatenate([dst, loop])
    ones = jnp.ones(src.shape[0], dtype=h.dtype)
    deg = jax.ops.segment_sum(ones, dst, num_segments=n)
    dinv = jax.lax.rsqrt(jnp.maximum(deg, 1.0))
    norm = dinv[src] * dinv[dst]  # symmetric GCN normalization per edge

    def prop(v):
        # normalized adjacency A_hat @ v (gather from src, scatter-add to dst)
        return jax.ops.segment_sum(v[src] * norm[:, None], dst, num_segments=n)

    def prop_t(v):
        # A_hat^T @ v
        return jax.ops.segment_sum(v[dst] * norm[:, None], src, num_segments=n)

    def skew(v):
        # skew-symmetric operator S = A_hat - A_hat^T, so exp(theta*S) is orthogonal
        return prop(v) - prop_t(v)

    for l in range(L):
        th = theta[l]
        term = h
        acc = h
        for t in range(1, T + 1):
            term = (th / t) * skew(term)
            acc = acc + term
        h = acc  # activation=Identity, residual=False, dropout inactive at eval
    return h[:, :, None]

if __name__ == "__main__":
    import jax
    _d = setup_inputs()
    print(jax.jit(kernel)(*tuple(_d.values())))

</pallas_src>

<mosaic_0001>
#map = affine_map<(d0, d1) -> (0)>
module attributes {stable_mosaic.version = 14 : i64} {
  func.func @_sc_body(%arg0: i32, %arg1: i32, %arg2: memref<1638400xi32, #tpu.memory_space<hbm>>, %arg3: memref<1638400xi32, #tpu.memory_space<hbm>>, %arg4: memref<100096xf32, #tpu.memory_space<hbm>>, %arg5: memref<128xf32, #tpu.memory_space<hbm>>, %arg6: memref<100096xf32, #tpu.memory_space<hbm>>, %arg7: memref<600576xf32, #tpu.memory_space<hbm>>, %arg8: memref<100096xf32, #tpu.memory_space<vmem_shared>>, %arg9: memref<100096xf32, #tpu.memory_space<vmem_shared>>, %arg10: memref<100096xf32, #tpu.memory_space<vmem_shared>>, %arg11: memref<6400xi32, #tpu.memory_space<vmem>>, %arg12: memref<6400xi32, #tpu.memory_space<vmem>>, %arg13: memref<6400xi32, #tpu.memory_space<vmem>>, %arg14: memref<6400xi32, #tpu.memory_space<vmem>>, %arg15: memref<6400xi32, #tpu.memory_space<vmem>>, %arg16: memref<6400xi32, #tpu.memory_space<vmem>>, %arg17: memref<6400xf32, #tpu.memory_space<vmem>>, %arg18: memref<6400xf32, #tpu.memory_space<vmem>>, %arg19: memref<6400xf32, #tpu.memory_space<vmem>>, %arg20: memref<6400xf32, #tpu.memory_space<vmem>>, %arg21: memref<6256xf32, #tpu.memory_space<vmem>>, %arg22: memref<6256xf32, #tpu.memory_space<vmem>>, %arg23: memref<6256xf32, #tpu.memory_space<vmem>>, %arg24: memref<6256xf32, #tpu.memory_space<vmem>>, %arg25: memref<6256xf32, #tpu.memory_space<vmem>>, %arg26: memref<6256xf32, #tpu.memory_space<vmem>>, %arg27: memref<128xf32, #tpu.memory_space<vmem>>, %arg28: memref<!tpu.dma_semaphore, #tpu.memory_space<semaphore_mem>>, %arg29: memref<!tpu.dma_semaphore, #tpu.memory_space<semaphore_mem>>, %arg30: memref<!tpu.dma_semaphore, #tpu.memory_space<semaphore_mem>>, %arg31: memref<!tpu.dma_semaphore, #tpu.memory_space<semaphore_mem>>, %arg32: memref<!tpu.dma_semaphore, #tpu.memory_space<semaphore_mem>>, %arg33: memref<!tpu.dma_semaphore, #tpu.memory_space<semaphore_mem>>, %arg34: memref<!tpu.dma_semaphore, #tpu.memory_space<semaphore_mem>>, %arg35: memref<!tpu.dma_semaphore, #tpu.memory_space<semaphore_mem>>, %arg36: memref<!tpu.dma_semaphore, #tpu.memory_space<semaphore_mem>>, %arg37: memref<!tpu.dma_semaphore, #tpu.memory_space<semaphore_mem>>, %arg38: memref<!tpu.semaphore, #tpu.memory_space<semaphore_mem>>) attributes {dimension_semantics = [#tpu.dimension_semantics<core_parallel>, #tpu.dimension_semantics<subcore_parallel>], iteration_bounds = array<i64: 2, 16>, scalar_prefetch = 0 : i64, scratch_operands = 31 : i64, tpu.core_type = #tpu.core_type<sc_vector_subcore>, window_params = [{transform_indices = #map}, {transform_indices = #map}, {transform_indices = #map}, {transform_indices = #map}, {transform_indices = #map}, {transform_indices = #map}]} {
    %mul3A = arith.constant 6256 : i32
    %mul3A_0 = arith.muli %arg1, %mul3A : i32
    %mul3A_1 = arith.constant 16 : i32
    %mul3A_2 = arith.muli %arg0, %mul3A_1 : i32
    %add3A = arith.addi %mul3A_2, %arg1 : i32
    %mul3A_3 = arith.constant 51200 : i32
    %mul3A_4 = arith.muli %add3A, %mul3A_3 : i32
    %add3A_5 = arith.constant 4 : i32
    %add3A_6 = arith.addi %add3A_5, %arg0 : i32
    %mul3A_7 = arith.constant 100096 : i32
    %mul3A_8 = arith.muli %add3A_6, %mul3A_7 : i32
    %add3A_9 = arith.addi %mul3A_8, %mul3A_0 : i32
    %sub3A = arith.constant 5 : i32
    %sub3A_10 = arith.subi %sub3A, %arg0 : i32
    %mul3A_11 = arith.constant 100096 : i32
    %mul3A_12 = arith.muli %sub3A_10, %mul3A_11 : i32
    %add3A_13 = arith.addi %mul3A_12, %mul3A_0 : i32
    "tpu.region"() ({
      %run_scoped3A = tpu.sem_alloc : memref<!tpu.dma_semaphore, #tpu.memory_space<semaphore_mem>>
      tpu.enqueue_dma source(%arg5 : memref<128xf32, #tpu.memory_space<hbm>>) target(%arg27 : memref<128xf32, #tpu.memory_space<vmem>>) target_semaphore(%run_scoped3A : memref<!tpu.dma_semaphore, #tpu.memory_space<semaphore_mem>>)
      tpu.wait_dma2 semaphore(%run_scoped3A : memref<!tpu.dma_semaphore, #tpu.memory_space<semaphore_mem>>) src(%arg5 : memref<128xf32, #tpu.memory_space<hbm>>) dst(%arg27 : memref<128xf32, #tpu.memory_space<vmem>>)
      tpu.yield
    }) : () -> ()
    %scan3A = arith.constant 0 : i32
    %scan3A_14 = arith.constant 0 : i32
    %scan3A_15 = arith.constant 391 : i32
    %scan3A_16 = arith.addi %scan3A_14, %scan3A_15 : i32
    %scan3A_17 = arith.constant 1 : i32
    scf.for %scan3A_78 = %scan3A_14 to %scan3A_16 step %scan3A_17  : i32 {
      %broadcast_in_dim3A = arith.constant 0.000000e+00 : f32
      %broadcast_in_dim3A_79 = vector.broadcast %broadcast_in_dim3A : f32 to vector<16xf32>
      %mul3A_80 = arith.constant 16 : i32
      %mul3A_81 = arith.muli %scan3A_78, %mul3A_80 : i32
      %swap3A = arith.index_cast %mul3A_81 : i32 to index
      %swap3A_82 = tpu.vector_load %arg26[%swap3A] {strides = array<i32>} : memref<6256xf32, #tpu.memory_space<vmem>>, vector<16xf32>,
      tpu.vector_store %arg26[%swap3A], %broadcast_in_dim3A_79 {strides = array<i32>} : memref<6256xf32, #tpu.memory_space<vmem>>, vector<16xf32>,
    }
    %scan3A_18 = arith.constant 391 : i32
    %scan3A_19 = arith.constant 0 : i32
    %scan3A_20 = arith.constant 0 : i32
    %scan3A_21 = arith.constant 400 : i32
    %scan3A_22 = arith.addi %scan3A_20, %scan3A_21 : i32
    %scan3A_23 = arith.constant 1 : i32
    scf.for %scan3A_78 = %scan3A_20 to %scan3A_22 step %scan3A_23  : i32 {
      %broadcast_in_dim3A = arith.constant 1.000000e+00 : f32
      %broadcast_in_dim3A_79 = vector.broadcast %broadcast_in_dim3A : f32 to vector<16xf32>
      %mul3A_80 = arith.constant 16 : i32
      %mul3A_81 = arith.muli %scan3A_78, %mul3A_80 : i32
      %swap3A = arith.index_cast %mul3A_81 : i32 to index
      %swap3A_82 = tpu.vector_load %arg17[%swap3A] {strides = array<i32>} : memref<6400xf32, #tpu.memory_space<vmem>>, vector<16xf32>,
      tpu.vector_store %arg17[%swap3A], %broadcast_in_dim3A_79 {strides = array<i32>} : memref<6400xf32, #tpu.memory_space<vmem>>, vector<16xf32>,
    }
    %scan3A_24 = arith.constant 400 : i32
    "tpu.region"() ({
      %run_scoped3A = tpu.sem_alloc : memref<!tpu.dma_semaphore, #tpu.memory_space<semaphore_mem>>
      %dma_start3A_78 = tpu.memref_slice %arg9[%mul3A_0] : memref<100096xf32, #tpu.memory_space<vmem_shared>> -> memref<6256xf32, #tpu.memory_space<vmem_shared>>
      %dma_start3A_79 = tpu.memref_slice %arg9[%mul3A_0] : memref<100096xf32, #tpu.memory_space<vmem_shared>> -> memref<6256xf32, #tpu.memory_space<vmem_shared>>
      tpu.enqueue_dma source(%arg26 : memref<6256xf32, #tpu.memory_space<vmem>>) target(%dma_start3A_79 : memref<6256xf32, #tpu.memory_space<vmem_shared>>) target_semaphore(%run_scoped3A : memref<!tpu.dma_semaphore, #tpu.memory_space<semaphore_mem>>)
      %dma_wait3A_80 = tpu.memref_slice %arg9[%mul3A_0] : memref<100096xf32, #tpu.memory_space<vmem_shared>> -> memref<6256xf32, #tpu.memory_space<vmem_shared>>
      %dma_wait3A_81 = tpu.memref_slice %arg9[%mul3A_0] : memref<100096xf32, #tpu.memory_space<vmem_shared>> -> memref<6256xf32, #tpu.memory_space<vmem_shared>>
      tpu.wait_dma2 semaphore(%run_scoped3A : memref<!tpu.dma_semaphore, #tpu.memory_space<semaphore_mem>>) src(%arg26 : memref<6256xf32, #tpu.memory_space<vmem>>) dst(%dma_wait3A_81 : memref<6256xf32, #tpu.memory_space<vmem_shared>>)
      tpu.yield
    }) : () -> ()
    "tpu.region"() ({
      %run_scoped3A = tpu.sem_alloc : memref<!tpu.dma_semaphore, #tpu.memory_space<semaphore_mem>>
      %dma_start3A_78 = tpu.memref_slice %arg10[%mul3A_0] : memref<100096xf32, #tpu.memory_space<vmem_shared>> -> memref<6256xf32, #tpu.memory_space<vmem_shared>>
      %dma_start3A_79 = tpu.memref_slice %arg10[%mul3A_0] : memref<100096xf32, #tpu.memory_space<vmem_shared>> -> memref<6256xf32, #tpu.memory_space<vmem_shared>>
      tpu.enqueue_dma source(%arg26 : memref<6256xf32, #tpu.memory_space<vmem>>) target(%dma_start3A_79 : memref<6256xf32, #tpu.memory_space<vmem_shared>>) target_semaphore(%run_scoped3A : memref<!tpu.dma_semaphore, #tpu.memory_space<semaphore_mem>>)
      %dma_wait3A_80 = tpu.memref_slice %arg10[%mul3A_0] : memref<100096xf32, #tpu.memory_space<vmem_shared>> -> memref<6256xf32, #tpu.memory_space<vmem_shared>>
      %dma_wait3A_81 = tpu.memref_slice %arg10[%mul3A_0] : memref<100096xf32, #tpu.memory_space<vmem_shared>> -> memref<6256xf32, #tpu.memory_space<vmem_shared>>
      tpu.wait_dma2 semaphore(%run_scoped3A : memref<!tpu.dma_semaphore, #tpu.memory_space<semaphore_mem>>) src(%arg26 : memref<6256xf32, #tpu.memory_space<vmem>>) dst(%dma_wait3A_81 : memref<6256xf32, #tpu.memory_space<vmem_shared>>)
      tpu.yield
    }) : () -> ()
    %barrier3A = arith.constant 0 : index
    tpu.barrier barrier_id(%barrier3A)
    %scan3A_25 = arith.constant 0 : i32
    %scan3A_26 = arith.constant 0 : i32
    %scan3A_27 = arith.constant 8 : i32
    %scan3A_28 = arith.addi %scan3A_26, %scan3A_27 : i32
    %scan3A_29 = arith.constant 1 : i32
    scf.for %scan3A_78 = %scan3A_26 to %scan3A_28 step %scan3A_29  : i32 {
      %mul3A_79 = arith.constant 6400 : i32
      %mul3A_80 = arith.muli %scan3A_78, %mul3A_79 : i32
      %add3A_81 = arith.addi %mul3A_4, %mul3A_80 : i32
      "tpu.region"() ({
        %run_scoped3A = tpu.sem_alloc : memref<!tpu.dma_semaphore, #tpu.memory_space<semaphore_mem>>
        %dma_start3A_82 = tpu.memref_slice %arg3[%add3A_81] : memref<1638400xi32, #tpu.memory_space<hbm>> -> memref<6400xi32, #tpu.memory_space<hbm>>
        %dma_start3A_83 = tpu.memref_slice %arg3[%add3A_81] : memref<1638400xi32, #tpu.memory_space<hbm>> -> memref<6400xi32, #tpu.memory_space<hbm>>
        tpu.enqueue_dma source(%dma_start3A_83 : memref<6400xi32, #tpu.memory_space<hbm>>) target(%arg14 : memref<6400xi32, #tpu.memory_space<vmem>>) target_semaphore(%run_scoped3A : memref<!tpu.dma_semaphore, #tpu.memory_space<semaphore_mem>>)
        %dma_wait3A_84 = tpu.memref_slice %arg3[%add3A_81] : memref<1638400xi32, #tpu.memory_space<hbm>> -> memref<6400xi32, #tpu.memory_space<hbm>>
        %dma_wait3A_85 = tpu.memref_slice %arg3[%add3A_81] : memref<1638400xi32, #tpu.memory_space<hbm>> -> memref<6400xi32, #tpu.memory_space<hbm>>
        tpu.wait_dma2 semaphore(%run_scoped3A : memref<!tpu.dma_semaphore, #tpu.memory_space<semaphore_mem>>) src(%dma_wait3A_85 : memref<6400xi32, #tpu.memory_space<hbm>>) dst(%arg14 : memref<6400xi32, #tpu.memory_space<vmem>>)
        tpu.yield
      }) : () -> ()
      "tpu.region"() ({
        %run_scoped3A = tpu.sem_alloc : memref<!tpu.dma_semaphore, #tpu.memory_space<semaphore_mem>>
        %dma_start3A_82 = arith.constant 0 : i32
        %dma_start3A_83 = tpu.memref_slice %arg9[%dma_start3A_82] : memref<100096xf32, #tpu.memory_space<vmem_shared>> -> memref<100096xf32, #tpu.memory_space<vmem_shared>>
        tpu.enqueue_indirect_dma source(%arg17 : memref<6400xf32, #tpu.memory_space<vmem>>) target(%dma_start3A_83 : memref<100096xf32, #tpu.memory_space<vmem_shared>>) offsets(%arg14 : memref<6400xi32, #tpu.memory_space<vmem>>) semaphore(%run_scoped3A : memref<!tpu.dma_semaphore, #tpu.memory_space<semaphore_mem>>) {add = true}
        %dma_wait3A_84 = arith.constant 0 : i32
        %dma_wait3A_85 = tpu.memref_slice %arg9[%dma_wait3A_84] : memref<100096xf32, #tpu.memory_space<vmem_shared>> -> memref<100096xf32, #tpu.memory_space<vmem_shared>>
        tpu.wait_indirect_dma semaphore(%run_scoped3A : memref<!tpu.dma_semaphore, #tpu.memory_space<semaphore_mem>>) src(%arg17 : memref<6400xf32, #tpu.memory_space<vmem>>) dst(%dma_wait3A_85 : memref<100096xf32, #tpu.memory_space<vmem_shared>>)
        tpu.yield
      }) : () -> ()
    }
    %scan3A_30 = arith.constant 8 : i32
    %barrier3A_31 = arith.constant 0 : index
    tpu.barrier barrier_id(%barrier3A_31)
    "tpu.region"() ({
      %run_scoped3A = tpu.sem_alloc : memref<!tpu.dma_semaphore, #tpu.memory_space<semaphore_mem>>
      %dma_start3A_78 = tpu.memref_slice %arg9[%mul3A_0] : memref<100096xf32, #tpu.memory_space<vmem_shared>> -> memref<6256xf32, #tpu.memory_space<vmem_shared>>
      %dma_start3A_79 = tpu.memref_slice %arg9[%mul3A_0] : memref<100096xf32, #tpu.memory_space<vmem_shared>> -> memref<6256xf32, #tpu.memory_space<vmem_shared>>
      tpu.enqueue_dma source(%dma_start3A_79 : memref<6256xf32, #tpu.memory_space<vmem_shared>>) target(%arg24 : memref<6256xf32, #tpu.memory_space<vmem>>) target_semaphore(%run_scoped3A : memref<!tpu.dma_semaphore, #tpu.memory_space<semaphore_mem>>)
      %dma_wait3A_80 = tpu.memref_slice %arg9[%mul3A_0] : memref<100096xf32, #tpu.memory_space<vmem_shared>> -> memref<6256xf32, #tpu.memory_space<vmem_shared>>
      %dma_wait3A_81 = tpu.memref_slice %arg9[%mul3A_0] : memref<100096xf32, #tpu.memory_space<vmem_shared>> -> memref<6256xf32, #tpu.memory_space<vmem_shared>>
      tpu.wait_dma2 semaphore(%run_scoped3A : memref<!tpu.dma_semaphore, #tpu.memory_space<semaphore_mem>>) src(%dma_wait3A_81 : memref<6256xf32, #tpu.memory_space<vmem_shared>>) dst(%arg24 : memref<6256xf32, #tpu.memory_space<vmem>>)
      tpu.yield
    }) : () -> ()
    "tpu.region"() ({
      %run_scoped3A = tpu.sem_alloc : memref<!tpu.dma_semaphore, #tpu.memory_space<semaphore_mem>>
      %dma_start3A_78 = tpu.memref_slice %arg7[%add3A_9] : memref<600576xf32, #tpu.memory_space<hbm>> -> memref<6256xf32, #tpu.memory_space<hbm>>
      %dma_start3A_79 = tpu.memref_slice %arg7[%add3A_9] : memref<600576xf32, #tpu.memory_space<hbm>> -> memref<6256xf32, #tpu.memory_space<hbm>>
      tpu.enqueue_dma source(%arg24 : memref<6256xf32, #tpu.memory_space<vmem>>) target(%dma_start3A_79 : memref<6256xf32, #tpu.memory_space<hbm>>) target_semaphore(%run_scoped3A : memref<!tpu.dma_semaphore, #tpu.memory_space<semaphore_mem>>)
      %dma_wait3A_80 = tpu.memref_slice %arg7[%add3A_9] : memref<600576xf32, #tpu.memory_space<hbm>> -> memref<6256xf32, #tpu.memory_space<hbm>>
      %dma_wait3A_81 = tpu.memref_slice %arg7[%add3A_9] : memref<600576xf32, #tpu.memory_space<hbm>> -> memref<6256xf32, #tpu.memory_space<hbm>>
      tpu.wait_dma2 semaphore(%run_scoped3A : memref<!tpu.dma_semaphore, #tpu.memory_space<semaphore_mem>>) src(%arg24 : memref<6256xf32, #tpu.memory_space<vmem>>) dst(%dma_wait3A_81 : memref<6256xf32, #tpu.memory_space<hbm>>)
      tpu.yield
    }) : () -> ()
    "tpu.region"() ({
      %run_scoped3A = tpu.sem_alloc : memref<!tpu.dma_semaphore, #tpu.memory_space<semaphore_mem>>
      %dma_start3A_78 = tpu.memref_slice %arg9[%mul3A_0] : memref<100096xf32, #tpu.memory_space<vmem_shared>> -> memref<6256xf32, #tpu.memory_space<vmem_shared>>
      %dma_start3A_79 = tpu.memref_slice %arg9[%mul3A_0] : memref<100096xf32, #tpu.memory_space<vmem_shared>> -> memref<6256xf32, #tpu.memory_space<vmem_shared>>
      tpu.enqueue_dma source(%arg26 : memref<6256xf32, #tpu.memory_space<vmem>>) target(%dma_start3A_79 : memref<6256xf32, #tpu.memory_space<vmem_shared>>) target_semaphore(%run_scoped3A : memref<!tpu.dma_semaphore, #tpu.memory_space<semaphore_mem>>)
      %dma_wait3A_80 = tpu.memref_slice %arg9[%mul3A_0] : memref<100096xf32, #tpu.memory_space<vmem_shared>> -> memref<6256xf32, #tpu.memory_space<vmem_shared>>
      %dma_wait3A_81 = tpu.memref_slice %arg9[%mul3A_0] : memref<100096xf32, #tpu.memory_space<vmem_shared>> -> memref<6256xf32, #tpu.memory_space<vmem_shared>>
      tpu.wait_dma2 semaphore(%run_scoped3A : memref<!tpu.dma_semaphore, #tpu.memory_space<semaphore_mem>>) src(%arg26 : memref<6256xf32, #tpu.memory_space<vmem>>) dst(%dma_wait3A_81 : memref<6256xf32, #tpu.memory_space<vmem_shared>>)
      tpu.yield
    }) : () -> ()
    %sub3A_32 = arith.constant 1 : i32
    %sub3A_33 = arith.subi %sub3A_32, %arg0 : i32
    %semaphore_signal3A = arith.constant 1 : i32
    tpu.sem_signal %arg38, %semaphore_signal3A core_id %sub3A_33 : memref<!tpu.semaphore, #tpu.memory_space<semaphore_mem>>
    %semaphore_wait3A = arith.constant 1 : i32
    %semaphore_wait3A_34 = arith.constant true
    tpu.sem_wait %arg38, %semaphore_wait3A : memref<!tpu.semaphore, #tpu.memory_space<semaphore_mem>>
    "tpu.region"() ({
      %run_scoped3A = tpu.sem_alloc : memref<!tpu.dma_semaphore, #tpu.memory_space<semaphore_mem>>
      %dma_start3A_78 = tpu.memref_slice %arg7[%add3A_13] : memref<600576xf32, #tpu.memory_space<hbm>> -> memref<6256xf32, #tpu.memory_space<hbm>>
      %dma_start3A_79 = tpu.memref_slice %arg7[%add3A_13] : memref<600576xf32, #tpu.memory_space<hbm>> -> memref<6256xf32, #tpu.memory_space<hbm>>
      tpu.enqueue_dma source(%dma_start3A_79 : memref<6256xf32, #tpu.memory_space<hbm>>) target(%arg25 : memref<6256xf32, #tpu.memory_space<vmem>>) target_semaphore(%run_scoped3A : memref<!tpu.dma_semaphore, #tpu.memory_space<semaphore_mem>>)
      %dma_wait3A_80 = tpu.memref_slice %arg7[%add3A_13] : memref<600576xf32, #tpu.memory_space<hbm>> -> memref<6256xf32, #tpu.memory_space<hbm>>
      %dma_wait3A_81 = tpu.memref_slice %arg7[%add3A_13] : memref<600576xf32, #tpu.memory_space<hbm>> -> memref<6256xf32, #tpu.memory_space<hbm>>
      tpu.wait_dma2 semaphore(%run_scoped3A : memref<!tpu.dma_semaphore, #tpu.memory_space<semaphore_mem>>) src(%dma_wait3A_81 : memref<6256xf32, #tpu.memory_space<hbm>>) dst(%arg25 : memref<6256xf32, #tpu.memory_space<vmem>>)
      tpu.yield
    }) : () -> ()
    "tpu.region"() ({
      %run_scoped3A = tpu.sem_alloc : memref<!tpu.dma_semaphore, #tpu.memory_space<semaphore_mem>>
      %dma_start3A_78 = arith.constant 0 : i32
      %dma_start3A_79 = tpu.memref_slice %arg18[%dma_start3A_78] : memref<6400xf32, #tpu.memory_space<vmem>> -> memref<6256xf32, #tpu.memory_space<vmem>>
      %dma_start3A_80 = tpu.memref_slice %arg4[%mul3A_0] : memref<100096xf32, #tpu.memory_space<hbm>> -> memref<6256xf32, #tpu.memory_space<hbm>>
      %dma_start3A_81 = arith.constant 0 : i32
      %dma_start3A_82 = tpu.memref_slice %arg18[%dma_start3A_81] : memref<6400xf32, #tpu.memory_space<vmem>> -> memref<6256xf32, #tpu.memory_space<vmem>>
      %dma_start3A_83 = tpu.memref_slice %arg4[%mul3A_0] : memref<100096xf32, #tpu.memory_space<hbm>> -> memref<6256xf32, #tpu.memory_space<hbm>>
      tpu.enqueue_dma source(%dma_start3A_83 : memref<6256xf32, #tpu.memory_space<hbm>>) target(%dma_start3A_82 : memref<6256xf32, #tpu.memory_space<vmem>>) target_semaphore(%run_scoped3A : memref<!tpu.dma_semaphore, #tpu.memory_space<semaphore_mem>>)
      %dma_wait3A_84 = arith.constant 0 : i32
      %dma_wait3A_85 = tpu.memref_slice %arg18[%dma_wait3A_84] : memref<6400xf32, #tpu.memory_space<vmem>> -> memref<6256xf32, #tpu.memory_space<vmem>>
      %dma_wait3A_86 = tpu.memref_slice %arg4[%mul3A_0] : memref<100096xf32, #tpu.memory_space<hbm>> -> memref<6256xf32, #tpu.memory_space<hbm>>
      %dma_wait3A_87 = arith.constant 0 : i32
      %dma_wait3A_88 = tpu.memref_slice %arg18[%dma_wait3A_87] : memref<6400xf32, #tpu.memory_space<vmem>> -> memref<6256xf32, #tpu.memory_space<vmem>>
      %dma_wait3A_89 = tpu.memref_slice %arg4[%mul3A_0] : memref<100096xf32, #tpu.memory_space<hbm>> -> memref<6256xf32, #tpu.memory_space<hbm>>
      tpu.wait_dma2 semaphore(%run_scoped3A : memref<!tpu.dma_semaphore, #tpu.memory_space<semaphore_mem>>) src(%dma_wait3A_89 : memref<6256xf32, #tpu.memory_space<hbm>>) dst(%dma_wait3A_88 : memref<6256xf32, #tpu.memory_space<vmem>>)
      tpu.yield
    }) : () -> ()
    %scan3A_35 = arith.constant 0 : i32
    %scan3A_36 = arith.constant 0 : i32
    %scan3A_37 = arith.constant 391 : i32
    %scan3A_38 = arith.addi %scan3A_36, %scan3A_37 : i32
    %scan3A_39 = arith.constant 1 : i32
    scf.for %scan3A_78 = %scan3A_36 to %scan3A_38 step %scan3A_39  : i32 {
      %mul3A_79 = arith.constant 16 : i32
      %mul3A_80 = arith.muli %scan3A_78, %mul3A_79 : i32
      %get3A = arith.index_cast %mul3A_80 : i32 to index
      %get3A_81 = tpu.vector_load %arg24[%get3A] {strides = array<i32>} : memref<6256xf32, #tpu.memory_space<vmem>>, vector<16xf32>,
      %get3A_82 = arith.index_cast %mul3A_80 : i32 to index
      %get3A_83 = tpu.vector_load %arg25[%get3A_82] {strides = array<i32>} : memref<6256xf32, #tpu.memory_space<vmem>>, vector<16xf32>,
      %add3A_84 = arith.addf %get3A_81, %get3A_83 : vector<16xf32>
      %add3A_85 = arith.constant 1.000000e+00 : f32
      %add3A_86 = vector.broadcast %add3A_85 : f32 to vector<16xf32>
      %add3A_87 = arith.addf %add3A_84, %add3A_86 : vector<16xf32>
      %div3A = arith.constant 1.000000e+00 : f32
      %div3A_88 = vector.broadcast %div3A : f32 to vector<16xf32>
      %div3A_89 = arith.divf %div3A_88, %add3A_87 : vector<16xf32>
      %swap3A = arith.index_cast %mul3A_80 : i32 to index
      %swap3A_90 = tpu.vector_load %arg21[%swap3A] {strides = array<i32>} : memref<6256xf32, #tpu.memory_space<vmem>>, vector<16xf32>,
      tpu.vector_store %arg21[%swap3A], %div3A_89 {strides = array<i32>} : memref<6256xf32, #tpu.memory_space<vmem>>, vector<16xf32>,
      %bitcast_convert_type3A = tpu.bitcast %add3A_87 : vector<16xf32> -> vector<16xi32>
      %shift_right_arithmetic3A = arith.constant 1 : i32
      %shift_right_arithmetic3A_91 = vector.broadcast %shift_right_arithmetic3A : i32 to vector<16xi32>
      %shift_right_arithmetic3A_92 = arith.shrsi %bitcast_convert_type3A, %shift_right_arithmetic3A_91 : vector<16xi32>
      %sub3A_93 = arith.constant 1597463007 : i32
      %sub3A_94 = vector.broadcast %sub3A_93 : i32 to vector<16xi32>
      %sub3A_95 = arith.subi %sub3A_94, %shift_right_arithmetic3A_92 : vector<16xi32>
      %bitcast_convert_type3A_96 = tpu.bitcast %sub3A_95 : vector<16xi32> -> vector<16xf32>
      %mul3A_97 = arith.constant 5.000000e-01 : f32
      %mul3A_98 = vector.broadcast %mul3A_97 : f32 to vector<16xf32>
      %mul3A_99 = arith.mulf %mul3A_98, %add3A_87 : vector<16xf32>
      %mul3A_100 = arith.mulf %mul3A_99, %bitcast_convert_type3A_96 : vector<16xf32>
      %mul3A_101 = arith.mulf %mul3A_100, %bitcast_convert_type3A_96 : vector<16xf32>
      %sub3A_102 = arith.constant 1.500000e+00 : f32
      %sub3A_103 = vector.broadcast %sub3A_102 : f32 to vector<16xf32>
      %sub3A_104 = arith.subf %sub3A_103, %mul3A_101 : vector<16xf32>
      %mul3A_105 = arith.mulf %bitcast_convert_type3A_96, %sub3A_104 : vector<16xf32>
      %mul3A_106 = arith.constant 5.000000e-01 : f32
      %mul3A_107 = vector.broadcast %mul3A_106 : f32 to vector<16xf32>
      %mul3A_108 = arith.mulf %mul3A_107, %add3A_87 : vector<16xf32>
      %mul3A_109 = arith.mulf %mul3A_108, %mul3A_105 : vector<16xf32>
      %mul3A_110 = arith.mulf %mul3A_109, %mul3A_105 : vector<16xf32>
      %sub3A_111 = arith.constant 1.500000e+00 : f32
      %sub3A_112 = vector.broadcast %sub3A_111 : f32 to vector<16xf32>
      %sub3A_113 = arith.subf %sub3A_112, %mul3A_110 : vector<16xf32>
      %mul3A_114 = arith.mulf %mul3A_105, %sub3A_113 : vector<16xf32>
      %mul3A_115 = arith.constant 5.000000e-01 : f32
      %mul3A_116 = vector.broadcast %mul3A_115 : f32 to vector<16xf32>
      %mul3A_117 = arith.mulf %mul3A_116, %add3A_87 : vector<16xf32>
      %mul3A_118 = arith.mulf %mul3A_117, %mul3A_114 : vector<16xf32>
      %mul3A_119 = arith.mulf %mul3A_118, %mul3A_114 : vector<16xf32>
      %sub3A_120 = arith.constant 1.500000e+00 : f32
      %sub3A_121 = vector.broadcast %sub3A_120 : f32 to vector<16xf32>
      %sub3A_122 = arith.subf %sub3A_121, %mul3A_119 : vector<16xf32>
      %mul3A_123 = arith.mulf %mul3A_114, %sub3A_122 : vector<16xf32>
      %mul3A_124 = arith.constant 5.000000e-01 : f32
      %mul3A_125 = vector.broadcast %mul3A_124 : f32 to vector<16xf32>
      %mul3A_126 = arith.mulf %mul3A_125, %add3A_87 : vector<16xf32>
      %mul3A_127 = arith.mulf %mul3A_126, %mul3A_123 : vector<16xf32>
      %mul3A_128 = arith.mulf %mul3A_127, %mul3A_123 : vector<16xf32>
      %sub3A_129 = arith.constant 1.500000e+00 : f32
      %sub3A_130 = vector.broadcast %sub3A_129 : f32 to vector<16xf32>
      %sub3A_131 = arith.subf %sub3A_130, %mul3A_128 : vector<16xf32>
      %mul3A_132 = arith.mulf %mul3A_123, %sub3A_131 : vector<16xf32>
      %mul3A_133 = arith.mulf %add3A_87, %mul3A_132 : vector<16xf32>
      %swap3A_134 = arith.index_cast %mul3A_80 : i32 to index
      %swap3A_135 = tpu.vector_load %arg22[%swap3A_134] {strides = array<i32>} : memref<6256xf32, #tpu.memory_space<vmem>>, vector<16xf32>,
      tpu.vector_store %arg22[%swap3A_134], %mul3A_133 {strides = array<i32>} : memref<6256xf32, #tpu.memory_space<vmem>>, vector<16xf32>,
      %get3A_136 = arith.index_cast %mul3A_80 : i32 to index
      %get3A_137 = tpu.vector_load %arg18[%get3A_136] {strides = array<i32>} : memref<6400xf32, #tpu.memory_space<vmem>>, vector<16xf32>,
      %mul3A_138 = arith.mulf %get3A_137, %mul3A_132 : vector<16xf32>
      %swap3A_139 = arith.index_cast %mul3A_80 : i32 to index
      %swap3A_140 = tpu.vector_load %arg23[%swap3A_139] {strides = array<i32>} : memref<6256xf32, #tpu.memory_space<vmem>>, vector<16xf32>,
      tpu.vector_store %arg23[%swap3A_139], %mul3A_138 {strides = array<i32>} : memref<6256xf32, #tpu.memory_space<vmem>>, vector<16xf32>,
      %swap3A_141 = arith.index_cast %mul3A_80 : i32 to index
      %swap3A_142 = tpu.vector_load %arg25[%swap3A_141] {strides = array<i32>} : memref<6256xf32, #tpu.memory_space<vmem>>, vector<16xf32>,
      tpu.vector_store %arg25[%swap3A_141], %mul3A_138 {strides = array<i32>} : memref<6256xf32, #tpu.memory_space<vmem>>, vector<16xf32>,
    }
    %scan3A_40 = arith.constant 391 : i32
    "tpu.region"() ({
      %run_scoped3A = tpu.sem_alloc : memref<!tpu.dma_semaphore, #tpu.memory_space<semaphore_mem>>
      %dma_start3A_78 = tpu.memref_slice %arg8[%mul3A_0] : memref<100096xf32, #tpu.memory_space<vmem_shared>> -> memref<6256xf32, #tpu.memory_space<vmem_shared>>
      %dma_start3A_79 = tpu.memref_slice %arg8[%mul3A_0] : memref<100096xf32, #tpu.memory_space<vmem_shared>> -> memref<6256xf32, #tpu.memory_space<vmem_shared>>
      tpu.enqueue_dma source(%arg25 : memref<6256xf32, #tpu.memory_space<vmem>>) target(%dma_start3A_79 : memref<6256xf32, #tpu.memory_space<vmem_shared>>) target_semaphore(%run_scoped3A : memref<!tpu.dma_semaphore, #tpu.memory_space<semaphore_mem>>)
      %dma_wait3A_80 = tpu.memref_slice %arg8[%mul3A_0] : memref<100096xf32, #tpu.memory_space<vmem_shared>> -> memref<6256xf32, #tpu.memory_space<vmem_shared>>
      %dma_wait3A_81 = tpu.memref_slice %arg8[%mul3A_0] : memref<100096xf32, #tpu.memory_space<vmem_shared>> -> memref<6256xf32, #tpu.memory_space<vmem_shared>>
      tpu.wait_dma2 semaphore(%run_scoped3A : memref<!tpu.dma_semaphore, #tpu.memory_space<semaphore_mem>>) src(%arg25 : memref<6256xf32, #tpu.memory_space<vmem>>) dst(%dma_wait3A_81 : memref<6256xf32, #tpu.memory_space<vmem_shared>>)
      tpu.yield
    }) : () -> ()
    %add3A_41 = arith.constant 0 : i32
    %add3A_42 = arith.addi %mul3A_4, %add3A_41 : i32
    %dma_start3A = tpu.memref_slice %arg2[%add3A_42] : memref<1638400xi32, #tpu.memory_space<hbm>> -> memref<6400xi32, #tpu.memory_space<hbm>>
    %dma_start3A_43 = tpu.memref_slice %arg2[%add3A_42] : memref<1638400xi32, #tpu.memory_space<hbm>> -> memref<6400xi32, #tpu.memory_space<hbm>>
    tpu.enqueue_dma source(%dma_start3A_43 : memref<6400xi32, #tpu.memory_space<hbm>>) target(%arg11 : memref<6400xi32, #tpu.memory_space<vmem>>) target_semaphore(%arg28 : memref<!tpu.dma_semaphore, #tpu.memory_space<semaphore_mem>>)
    %dma_start3A_44 = tpu.memref_slice %arg3[%add3A_42] : memref<1638400xi32, #tpu.memory_space<hbm>> -> memref<6400xi32, #tpu.memory_space<hbm>>
    %dma_start3A_45 = tpu.memref_slice %arg3[%add3A_42] : memref<1638400xi32, #tpu.memory_space<hbm>> -> memref<6400xi32, #tpu.memory_space<hbm>>
    tpu.enqueue_dma source(%dma_start3A_45 : memref<6400xi32, #tpu.memory_space<hbm>>) target(%arg14 : memref<6400xi32, #tpu.memory_space<vmem>>) target_semaphore(%arg28 : memref<!tpu.dma_semaphore, #tpu.memory_space<semaphore_mem>>)
    %add3A_46 = arith.constant 6400 : i32
    %add3A_47 = arith.addi %mul3A_4, %add3A_46 : i32
    %dma_start3A_48 = tpu.memref_slice %arg2[%add3A_47] : memref<1638400xi32, #tpu.memory_space<hbm>> -> memref<6400xi32, #tpu.memory_space<hbm>>
    %dma_start3A_49 = tpu.memref_slice %arg2[%add3A_47] : memref<1638400xi32, #tpu.memory_space<hbm>> -> memref<6400xi32, #tpu.memory_space<hbm>>
    tpu.enqueue_dma source(%dma_start3A_49 : memref<6400xi32, #tpu.memory_space<hbm>>) target(%arg12 : memref<6400xi32, #tpu.memory_space<vmem>>) target_semaphore(%arg29 : memref<!tpu.dma_semaphore, #tpu.memory_space<semaphore_mem>>)
    %dma_start3A_50 = tpu.memref_slice %arg3[%add3A_47] : memref<1638400xi32, #tpu.memory_space<hbm>> -> memref<6400xi32, #tpu.memory_space<hbm>>
    %dma_start3A_51 = tpu.memref_slice %arg3[%add3A_47] : memref<1638400xi32, #tpu.memory_space<hbm>> -> memref<6400xi32, #tpu.memory_space<hbm>>
    tpu.enqueue_dma source(%dma_start3A_51 : memref<6400xi32, #tpu.memory_space<hbm>>) target(%arg15 : memref<6400xi32, #tpu.memory_space<vmem>>) target_semaphore(%arg29 : memref<!tpu.dma_semaphore, #tpu.memory_space<semaphore_mem>>)
    %barrier3A_52 = arith.constant 0 : index
    tpu.barrier barrier_id(%barrier3A_52)
    %scan3A_53 = arith.constant 0 : i32
    %scan3A_54 = arith.constant 0 : i32
    %scan3A_55 = arith.constant 120 : i32
    %scan3A_56 = arith.addi %scan3A_54, %scan3A_55 : i32
    %scan3A_57 = arith.constant 1 : i32
    scf.for %scan3A_78 = %scan3A_54 to %scan3A_56 step %scan3A_57  : i32 {
      %broadcast_in_dim3A = vector.broadcast %scan3A_78 : i32 to vector<16xi32>
      %gather3A = tpu.vector_load_idx %arg27[%broadcast_in_dim3A] : memref<128xf32, #tpu.memory_space<vmem>>[vector<16xi32>], vector<16xf32>,
      %add3A_79 = arith.constant 0 : i32
      %add3A_80 = arith.addi %mul3A_4, %add3A_79 : i32
      %add3A_81 = arith.constant 6400 : i32
      %add3A_82 = arith.addi %mul3A_4, %add3A_81 : i32
      %dma_wait3A_83 = tpu.memref_slice %arg2[%add3A_80] : memref<1638400xi32, #tpu.memory_space<hbm>> -> memref<6400xi32, #tpu.memory_space<hbm>>
      %dma_wait3A_84 = tpu.memref_slice %arg2[%add3A_80] : memref<1638400xi32, #tpu.memory_space<hbm>> -> memref<6400xi32, #tpu.memory_space<hbm>>
      tpu.wait_dma2 semaphore(%arg28 : memref<!tpu.dma_semaphore, #tpu.memory_space<semaphore_mem>>) src(%dma_wait3A_84 : memref<6400xi32, #tpu.memory_space<hbm>>) dst(%arg11 : memref<6400xi32, #tpu.memory_space<vmem>>)
      %dma_wait3A_85 = tpu.memref_slice %arg3[%add3A_80] : memref<1638400xi32, #tpu.memory_space<hbm>> -> memref<6400xi32, #tpu.memory_space<hbm>>
      %dma_wait3A_86 = tpu.memref_slice %arg3[%add3A_80] : memref<1638400xi32, #tpu.memory_space<hbm>> -> memref<6400xi32, #tpu.memory_space<hbm>>
      tpu.wait_dma2 semaphore(%arg28 : memref<!tpu.dma_semaphore, #tpu.memory_space<semaphore_mem>>) src(%dma_wait3A_86 : memref<6400xi32, #tpu.memory_space<hbm>>) dst(%arg14 : memref<6400xi32, #tpu.memory_space<vmem>>)
      %dma_wait3A_87 = tpu.memref_slice %arg2[%add3A_82] : memref<1638400xi32, #tpu.memory_space<hbm>> -> memref<6400xi32, #tpu.memory_space<hbm>>
      %dma_wait3A_88 = tpu.memref_slice %arg2[%add3A_82] : memref<1638400xi32, #tpu.memory_space<hbm>> -> memref<6400xi32, #tpu.memory_space<hbm>>
      tpu.wait_dma2 semaphore(%arg29 : memref<!tpu.dma_semaphore, #tpu.memory_space<semaphore_mem>>) src(%dma_wait3A_88 : memref<6400xi32, #tpu.memory_space<hbm>>) dst(%arg12 : memref<6400xi32, #tpu.memory_space<vmem>>)
      %dma_wait3A_89 = tpu.memref_slice %arg3[%add3A_82] : memref<1638400xi32, #tpu.memory_space<hbm>> -> memref<6400xi32, #tpu.memory_space<hbm>>
      %dma_wait3A_90 = tpu.memref_slice %arg3[%add3A_82] : memref<1638400xi32, #tpu.memory_space<hbm>> -> memref<6400xi32, #tpu.memory_space<hbm>>
      tpu.wait_dma2 semaphore(%arg29 : memref<!tpu.dma_semaphore, #tpu.memory_space<semaphore_mem>>) src(%dma_wait3A_90 : memref<6400xi32, #tpu.memory_space<hbm>>) dst(%arg15 : memref<6400xi32, #tpu.memory_space<vmem>>)
      %add3A_91 = arith.constant 0 : i32
      %add3A_92 = arith.addi %mul3A_4, %add3A_91 : i32
      %dma_start3A_93 = tpu.memref_slice %arg2[%add3A_92] : memref<1638400xi32, #tpu.memory_space<hbm>> -> memref<6400xi32, #tpu.memory_space<hbm>>
      %dma_start3A_94 = tpu.memref_slice %arg2[%add3A_92] : memref<1638400xi32, #tpu.memory_space<hbm>> -> memref<6400xi32, #tpu.memory_space<hbm>>
      tpu.enqueue_dma source(%dma_start3A_94 : memref<6400xi32, #tpu.memory_space<hbm>>) target(%arg11 : memref<6400xi32, #tpu.memory_space<vmem>>) target_semaphore(%arg28 : memref<!tpu.dma_semaphore, #tpu.memory_space<semaphore_mem>>)
      %dma_start3A_95 = tpu.memref_slice %arg3[%add3A_92] : memref<1638400xi32, #tpu.memory_space<hbm>> -> memref<6400xi32, #tpu.memory_space<hbm>>
      %dma_start3A_96 = tpu.memref_slice %arg3[%add3A_92] : memref<1638400xi32, #tpu.memory_space<hbm>> -> memref<6400xi32, #tpu.memory_space<hbm>>
      tpu.enqueue_dma source(%dma_start3A_96 : memref<6400xi32, #tpu.memory_space<hbm>>) target(%arg14 : memref<6400xi32, #tpu.memory_space<vmem>>) target_semaphore(%arg28 : memref<!tpu.dma_semaphore, #tpu.memory_space<semaphore_mem>>)
      %add3A_97 = arith.constant 6400 : i32
      %add3A_98 = arith.addi %mul3A_4, %add3A_97 : i32
      %dma_start3A_99 = tpu.memref_slice %arg2[%add3A_98] : memref<1638400xi32, #tpu.memory_space<hbm>> -> memref<6400xi32, #tpu.memory_space<hbm>>
      %dma_start3A_100 = tpu.memref_slice %arg2[%add3A_98] : memref<1638400xi32, #tpu.memory_space<hbm>> -> memref<6400xi32, #tpu.memory_space<hbm>>
      tpu.enqueue_dma source(%dma_start3A_100 : memref<6400xi32, #tpu.memory_space<hbm>>) target(%arg12 : memref<6400xi32, #tpu.memory_space<vmem>>) target_semaphore(%arg29 : memref<!tpu.dma_semaphore, #tpu.memory_space<semaphore_mem>>)
      %dma_start3A_101 = tpu.memref_slice %arg3[%add3A_98] : memref<1638400xi32, #tpu.memory_space<hbm>> -> memref<6400xi32, #tpu.memory_space<hbm>>
      %dma_start3A_102 = tpu.memref_slice %arg3[%add3A_98] : memref<1638400xi32, #tpu.memory_space<hbm>> -> memref<6400xi32, #tpu.memory_space<hbm>>
      tpu.enqueue_dma source(%dma_start3A_102 : memref<6400xi32, #tpu.memory_space<hbm>>) target(%arg15 : memref<6400xi32, #tpu.memory_space<vmem>>) target_semaphore(%arg29 : memref<!tpu.dma_semaphore, #tpu.memory_space<semaphore_mem>>)
      %barrier3A_103 = arith.constant 0 : index
      tpu.barrier barrier_id(%barrier3A_103)
      %dma_start3A_104 = tpu.memref_slice %arg9[%mul3A_0] : memref<100096xf32, #tpu.memory_space<vmem_shared>> -> memref<6256xf32, #tpu.memory_space<vmem_shared>>
      %dma_start3A_105 = tpu.memref_slice %arg9[%mul3A_0] : memref<100096xf32, #tpu.memory_space<vmem_shared>> -> memref<6256xf32, #tpu.memory_space<vmem_shared>>
      tpu.enqueue_dma source(%dma_start3A_105 : memref<6256xf32, #tpu.memory_space<vmem_shared>>) target(%arg24 : memref<6256xf32, #tpu.memory_space<vmem>>) target_semaphore(%arg35 : memref<!tpu.dma_semaphore, #tpu.memory_space<semaphore_mem>>)
      %dma_start3A_106 = tpu.memref_slice %arg10[%mul3A_0] : memref<100096xf32, #tpu.memory_space<vmem_shared>> -> memref<6256xf32, #tpu.memory_space<vmem_shared>>
      %dma_start3A_107 = tpu.memref_slice %arg10[%mul3A_0] : memref<100096xf32, #tpu.memory_space<vmem_shared>> -> memref<6256xf32, #tpu.memory_space<vmem_shared>>
      tpu.enqueue_dma source(%dma_start3A_107 : memref<6256xf32, #tpu.memory_space<vmem_shared>>) target(%arg25 : memref<6256xf32, #tpu.memory_space<vmem>>) target_semaphore(%arg36 : memref<!tpu.dma_semaphore, #tpu.memory_space<semaphore_mem>>)
      %dma_wait3A_108 = tpu.memref_slice %arg9[%mul3A_0] : memref<100096xf32, #tpu.memory_space<vmem_shared>> -> memref<6256xf32, #tpu.memory_space<vmem_shared>>
      %dma_wait3A_109 = tpu.memref_slice %arg9[%mul3A_0] : memref<100096xf32, #tpu.memory_space<vmem_shared>> -> memref<6256xf32, #tpu.memory_space<vmem_shared>>
      tpu.wait_dma2 semaphore(%arg35 : memref<!tpu.dma_semaphore, #tpu.memory_space<semaphore_mem>>) src(%dma_wait3A_109 : memref<6256xf32, #tpu.memory_space<vmem_shared>>) dst(%arg24 : memref<6256xf32, #tpu.memory_space<vmem>>)
      %dma_wait3A_110 = tpu.memref_slice %arg10[%mul3A_0] : memref<100096xf32, #tpu.memory_space<vmem_shared>> -> memref<6256xf32, #tpu.memory_space<vmem_shared>>
      %dma_wait3A_111 = tpu.memref_slice %arg10[%mul3A_0] : memref<100096xf32, #tpu.memory_space<vmem_shared>> -> memref<6256xf32, #tpu.memory_space<vmem_shared>>
      tpu.wait_dma2 semaphore(%arg36 : memref<!tpu.dma_semaphore, #tpu.memory_space<semaphore_mem>>) src(%dma_wait3A_111 : memref<6256xf32, #tpu.memory_space<vmem_shared>>) dst(%arg25 : memref<6256xf32, #tpu.memory_space<vmem>>)
      %dma_start3A_112 = tpu.memref_slice %arg9[%mul3A_0] : memref<100096xf32, #tpu.memory_space<vmem_shared>> -> memref<6256xf32, #tpu.memory_space<vmem_shared>>
      %dma_start3A_113 = tpu.memref_slice %arg9[%mul3A_0] : memref<100096xf32, #tpu.memory_space<vmem_shared>> -> memref<6256xf32, #tpu.memory_space<vmem_shared>>
      tpu.enqueue_dma source(%arg26 : memref<6256xf32, #tpu.memory_space<vmem>>) target(%dma_start3A_113 : memref<6256xf32, #tpu.memory_space<vmem_shared>>) target_semaphore(%arg35 : memref<!tpu.dma_semaphore, #tpu.memory_space<semaphore_mem>>)
      %dma_start3A_114 = tpu.memref_slice %arg10[%mul3A_0] : memref<100096xf32, #tpu.memory_space<vmem_shared>> -> memref<6256xf32, #tpu.memory_space<vmem_shared>>
      %dma_start3A_115 = tpu.memref_slice %arg10[%mul3A_0] : memref<100096xf32, #tpu.memory_space<vmem_shared>> -> memref<6256xf32, #tpu.memory_space<vmem_shared>>
      tpu.enqueue_dma source(%arg26 : memref<6256xf32, #tpu.memory_space<vmem>>) target(%dma_start3A_115 : memref<6256xf32, #tpu.memory_space<vmem_shared>>) target_semaphore(%arg36 : memref<!tpu.dma_semaphore, #tpu.memory_space<semaphore_mem>>)
      %scan3A_116 = arith.constant 0 : i32
      %scan3A_117 = arith.constant 0 : i32
      %scan3A_118 = arith.constant 391 : i32
      %scan3A_119 = arith.addi %scan3A_117, %scan3A_118 : i32
      %scan3A_120 = arith.constant 1 : i32
      scf.for %scan3A_194 = %scan3A_117 to %scan3A_119 step %scan3A_120  : i32 {
        %mul3A_195 = arith.constant 16 : i32
        %mul3A_196 = arith.muli %scan3A_194, %mul3A_195 : i32
        %get3A = arith.index_cast %mul3A_196 : i32 to index
        %get3A_197 = tpu.vector_load %arg24[%get3A] {strides = array<i32>} : memref<6256xf32, #tpu.memory_space<vmem>>, vector<16xf32>,
        %get3A_198 = arith.index_cast %mul3A_196 : i32 to index
        %get3A_199 = tpu.vector_load %arg25[%get3A_198] {strides = array<i32>} : memref<6256xf32, #tpu.memory_space<vmem>>, vector<16xf32>,
        %sub3A_200 = arith.subf %get3A_197, %get3A_199 : vector<16xf32>
        %swap3A = arith.index_cast %mul3A_196 : i32 to index
        %swap3A_201 = tpu.vector_load %arg24[%swap3A] {strides = array<i32>} : memref<6256xf32, #tpu.memory_space<vmem>>, vector<16xf32>,
        tpu.vector_store %arg24[%swap3A], %sub3A_200 {strides = array<i32>} : memref<6256xf32, #tpu.memory_space<vmem>>, vector<16xf32>,
      }
      %scan3A_121 = arith.constant 391 : i32
      %jit3A = arith.constant 2 : i32
      %eq3A_122 = arith.constant 0 : i32
      %eq3A_123 = arith.cmpi eq, %jit3A, %eq3A_122 : i32
      %jit3A_124 = arith.constant 1 : i32
      %select_n3A = arith.select %eq3A_123, %jit3A_124, %jit3A : i32
      %rem3A = arith.remsi %scan3A_78, %select_n3A : i32
      %ne3A = arith.constant 0 : i32
      %ne3A_125 = arith.cmpi ne, %rem3A, %ne3A : i32
      %lt3A = arith.constant 0 : i32
      %lt3A_126 = arith.cmpi slt, %rem3A, %lt3A : i32
      %lt3A_127 = arith.constant 0 : i32
      %lt3A_128 = arith.cmpi slt, %select_n3A, %lt3A_127 : i32
      %ne3A_129 = arith.xori %lt3A_126, %lt3A_128 : i1
      %and3A = arith.andi %ne3A_129, %ne3A_125 : i1
      %add3A_130 = arith.addi %rem3A, %select_n3A : i32
      %select_n3A_131 = arith.select %and3A, %add3A_130, %rem3A : i32
      %mul3A_132 = arith.constant 2 : i32
      %mul3A_133 = arith.muli %select_n3A_131, %mul3A_132 : i32
      %add3A_134 = arith.addi %mul3A_133, %arg0 : i32
      %mul3A_135 = arith.constant 100096 : i32
      %mul3A_136 = arith.muli %add3A_134, %mul3A_135 : i32
      %add3A_137 = arith.addi %mul3A_136, %mul3A_0 : i32
      %mul3A_138 = arith.constant 2 : i32
      %mul3A_139 = arith.muli %select_n3A_131, %mul3A_138 : i32
      %add3A_140 = arith.constant 1 : i32
      %add3A_141 = arith.addi %mul3A_139, %add3A_140 : i32
      %sub3A_142 = arith.subi %add3A_141, %arg0 : i32
      %mul3A_143 = arith.constant 100096 : i32
      %mul3A_144 = arith.muli %sub3A_142, %mul3A_143 : i32
      %add3A_145 = arith.addi %mul3A_144, %mul3A_0 : i32
      %dma_start3A_146 = tpu.memref_slice %arg7[%add3A_137] : memref<600576xf32, #tpu.memory_space<hbm>> -> memref<6256xf32, #tpu.memory_space<hbm>>
      %dma_start3A_147 = tpu.memref_slice %arg7[%add3A_137] : memref<600576xf32, #tpu.memory_space<hbm>> -> memref<6256xf32, #tpu.memory_space<hbm>>
      tpu.enqueue_dma source(%arg24 : memref<6256xf32, #tpu.memory_space<vmem>>) target(%dma_start3A_147 : memref<6256xf32, #tpu.memory_space<hbm>>) target_semaphore(%arg37 : memref<!tpu.dma_semaphore, #tpu.memory_space<semaphore_mem>>)
      %dma_wait3A_148 = tpu.memref_slice %arg7[%add3A_137] : memref<600576xf32, #tpu.memory_space<hbm>> -> memref<6256xf32, #tpu.memory_space<hbm>>
      %dma_wait3A_149 = tpu.memref_slice %arg7[%add3A_137] : memref<600576xf32, #tpu.memory_space<hbm>> -> memref<6256xf32, #tpu.memory_space<hbm>>
      tpu.wait_dma2 semaphore(%arg37 : memref<!tpu.dma_semaphore, #tpu.memory_space<semaphore_mem>>) src(%arg24 : memref<6256xf32, #tpu.memory_space<vmem>>) dst(%dma_wait3A_149 : memref<6256xf32, #tpu.memory_space<hbm>>)
      %sub3A_150 = arith.constant 1 : i32
      %sub3A_151 = arith.subi %sub3A_150, %arg0 : i32
      %semaphore_signal3A_152 = arith.constant 1 : i32
      tpu.sem_signal %arg38, %semaphore_signal3A_152 core_id %sub3A_151 : memref<!tpu.semaphore, #tpu.memory_space<semaphore_mem>>
      %semaphore_wait3A_153 = arith.constant 1 : i32
      %semaphore_wait3A_154 = arith.constant true
      tpu.sem_wait %arg38, %semaphore_wait3A_153 : memref<!tpu.semaphore, #tpu.memory_space<semaphore_mem>>
      %dma_start3A_155 = tpu.memref_slice %arg7[%add3A_145] : memref<600576xf32, #tpu.memory_space<hbm>> -> memref<6256xf32, #tpu.memory_space<hbm>>
      %dma_start3A_156 = tpu.memref_slice %arg7[%add3A_145] : memref<600576xf32, #tpu.memory_space<hbm>> -> memref<6256xf32, #tpu.memory_space<hbm>>
      tpu.enqueue_dma source(%dma_start3A_156 : memref<6256xf32, #tpu.memory_space<hbm>>) target(%arg25 : memref<6256xf32, #tpu.memory_space<vmem>>) target_semaphore(%arg37 : memref<!tpu.dma_semaphore, #tpu.memory_space<semaphore_mem>>)
      %dma_wait3A_157 = tpu.memref_slice %arg7[%add3A_145] : memref<600576xf32, #tpu.memory_space<hbm>> -> memref<6256xf32, #tpu.memory_space<hbm>>
      %dma_wait3A_158 = tpu.memref_slice %arg7[%add3A_145] : memref<600576xf32, #tpu.memory_space<hbm>> -> memref<6256xf32, #tpu.memory_space<hbm>>
      tpu.wait_dma2 semaphore(%arg37 : memref<!tpu.dma_semaphore, #tpu.memory_space<semaphore_mem>>) src(%dma_wait3A_158 : memref<6256xf32, #tpu.memory_space<hbm>>) dst(%arg25 : memref<6256xf32, #tpu.memory_space<vmem>>)
      %jit3A_159 = arith.constant 10 : i32
      %eq3A_160 = arith.constant 0 : i32
      %eq3A_161 = arith.cmpi eq, %jit3A_159, %eq3A_160 : i32
      %jit3A_162 = arith.constant 1 : i32
      %select_n3A_163 = arith.select %eq3A_161, %jit3A_162, %jit3A_159 : i32
      %rem3A_164 = arith.remsi %scan3A_78, %select_n3A_163 : i32
      %ne3A_165 = arith.constant 0 : i32
      %ne3A_166 = arith.cmpi ne, %rem3A_164, %ne3A_165 : i32
      %lt3A_167 = arith.constant 0 : i32
      %lt3A_168 = arith.cmpi slt, %rem3A_164, %lt3A_167 : i32
      %lt3A_169 = arith.constant 0 : i32
      %lt3A_170 = arith.cmpi slt, %select_n3A_163, %lt3A_169 : i32
      %ne3A_171 = arith.xori %lt3A_168, %lt3A_170 : i1
      %and3A_172 = arith.andi %ne3A_171, %ne3A_166 : i1
      %add3A_173 = arith.addi %rem3A_164, %select_n3A_163 : i32
      %select_n3A_174 = arith.select %and3A_172, %add3A_173, %rem3A_164 : i32
      %broadcast_in_dim3A_175 = vector.broadcast %select_n3A_174 : i32 to vector<16xi32>
      %eq3A_176 = arith.constant 9 : i32
      %eq3A_177 = vector.broadcast %eq3A_176 : i32 to vector<16xi32>
      %eq3A_178 = arith.cmpi eq, %broadcast_in_dim3A_175, %eq3A_177 : vector<16xi32>
      %scan3A_179 = arith.constant 0 : i32
      %scan3A_180 = arith.constant 0 : i32
      %scan3A_181 = arith.constant 391 : i32
      %scan3A_182 = arith.addi %scan3A_180, %scan3A_181 : i32
      %scan3A_183 = arith.constant 1 : i32
      scf.for %scan3A_194 = %scan3A_180 to %scan3A_182 step %scan3A_183  : i32 {
        %mul3A_195 = arith.constant 16 : i32
        %mul3A_196 = arith.muli %scan3A_194, %mul3A_195 : i32
        %get3A = arith.index_cast %mul3A_196 : i32 to index
        %get3A_197 = tpu.vector_load %arg21[%get3A] {strides = array<i32>} : memref<6256xf32, #tpu.memory_space<vmem>>, vector<16xf32>,
        %mul3A_198 = arith.mulf %gather3A, %get3A_197 : vector<16xf32>
        %get3A_199 = arith.index_cast %mul3A_196 : i32 to index
        %get3A_200 = tpu.vector_load %arg24[%get3A_199] {strides = array<i32>} : memref<6256xf32, #tpu.memory_space<vmem>>, vector<16xf32>,
        %get3A_201 = arith.index_cast %mul3A_196 : i32 to index
        %get3A_202 = tpu.vector_load %arg25[%get3A_201] {strides = array<i32>} : memref<6256xf32, #tpu.memory_space<vmem>>, vector<16xf32>,
        %add3A_203 = arith.addf %get3A_200, %get3A_202 : vector<16xf32>
        %mul3A_204 = arith.mulf %mul3A_198, %add3A_203 : vector<16xf32>
        %get3A_205 = arith.index_cast %mul3A_196 : i32 to index
        %get3A_206 = tpu.vector_load %arg23[%get3A_205] {strides = array<i32>} : memref<6256xf32, #tpu.memory_space<vmem>>, vector<16xf32>,
        %add3A_207 = arith.addf %get3A_206, %mul3A_204 : vector<16xf32>
        %swap3A = arith.index_cast %mul3A_196 : i32 to index
        %swap3A_208 = tpu.vector_load %arg23[%swap3A] {strides = array<i32>} : memref<6256xf32, #tpu.memory_space<vmem>>, vector<16xf32>,
        tpu.vector_store %arg23[%swap3A], %add3A_207 {strides = array<i32>} : memref<6256xf32, #tpu.memory_space<vmem>>, vector<16xf32>,
        %select_n3A_209 = arith.select %eq3A_178, %add3A_207, %mul3A_204 : vector<16xi1>, vector<16xf32>
        %swap3A_210 = arith.index_cast %mul3A_196 : i32 to index
        %swap3A_211 = tpu.vector_load %arg24[%swap3A_210] {strides = array<i32>} : memref<6256xf32, #tpu.memory_space<vmem>>, vector<16xf32>,
        tpu.vector_store %arg24[%swap3A_210], %select_n3A_209 {strides = array<i32>} : memref<6256xf32, #tpu.memory_space<vmem>>, vector<16xf32>,
      }
      %scan3A_184 = arith.constant 391 : i32
      %dma_start3A_185 = tpu.memref_slice %arg8[%mul3A_0] : memref<100096xf32, #tpu.memory_space<vmem_shared>> -> memref<6256xf32, #tpu.memory_space<vmem_shared>>
      %dma_start3A_186 = tpu.memref_slice %arg8[%mul3A_0] : memref<100096xf32, #tpu.memory_space<vmem_shared>> -> memref<6256xf32, #tpu.memory_space<vmem_shared>>
      tpu.enqueue_dma source(%arg24 : memref<6256xf32, #tpu.memory_space<vmem>>) target(%dma_start3A_186 : memref<6256xf32, #tpu.memory_space<vmem_shared>>) target_semaphore(%arg37 : memref<!tpu.dma_semaphore, #tpu.memory_space<semaphore_mem>>)
      %dma_wait3A_187 = tpu.memref_slice %arg9[%mul3A_0] : memref<100096xf32, #tpu.memory_space<vmem_shared>> -> memref<6256xf32, #tpu.memory_space<vmem_shared>>
      %dma_wait3A_188 = tpu.memref_slice %arg9[%mul3A_0] : memref<100096xf32, #tpu.memory_space<vmem_shared>> -> memref<6256xf32, #tpu.memory_space<vmem_shared>>
      tpu.wait_dma2 semaphore(%arg35 : memref<!tpu.dma_semaphore, #tpu.memory_space<semaphore_mem>>) src(%arg26 : memref<6256xf32, #tpu.memory_space<vmem>>) dst(%dma_wait3A_188 : memref<6256xf32, #tpu.memory_space<vmem_shared>>)
      %dma_wait3A_189 = tpu.memref_slice %arg10[%mul3A_0] : memref<100096xf32, #tpu.memory_space<vmem_shared>> -> memref<6256xf32, #tpu.memory_space<vmem_shared>>
      %dma_wait3A_190 = tpu.memref_slice %arg10[%mul3A_0] : memref<100096xf32, #tpu.memory_space<vmem_shared>> -> memref<6256xf32, #tpu.memory_space<vmem_shared>>
      tpu.wait_dma2 semaphore(%arg36 : memref<!tpu.dma_semaphore, #tpu.memory_space<semaphore_mem>>) src(%arg26 : memref<6256xf32, #tpu.memory_space<vmem>>) dst(%dma_wait3A_190 : memref<6256xf32, #tpu.memory_space<vmem_shared>>)
      %dma_wait3A_191 = tpu.memref_slice %arg8[%mul3A_0] : memref<100096xf32, #tpu.memory_space<vmem_shared>> -> memref<6256xf32, #tpu.memory_space<vmem_shared>>
      %dma_wait3A_192 = tpu.memref_slice %arg8[%mul3A_0] : memref<100096xf32, #tpu.memory_space<vmem_shared>> -> memref<6256xf32, #tpu.memory_space<vmem_shared>>
      tpu.wait_dma2 semaphore(%arg37 : memref<!tpu.dma_semaphore, #tpu.memory_space<semaphore_mem>>) src(%arg24 : memref<6256xf32, #tpu.memory_space<vmem>>) dst(%dma_wait3A_192 : memref<6256xf32, #tpu.memory_space<vmem_shared>>)
      %barrier3A_193 = arith.constant 0 : index
      tpu.barrier barrier_id(%barrier3A_193)
    }
    %scan3A_58 = arith.constant 120 : i32
    %add3A_59 = arith.constant 0 : i32
    %add3A_60 = arith.addi %mul3A_4, %add3A_59 : i32
    %dma_wait3A = tpu.memref_slice %arg2[%add3A_60] : memref<1638400xi32, #tpu.memory_space<hbm>> -> memref<6400xi32, #tpu.memory_space<hbm>>
    %dma_wait3A_61 = tpu.memref_slice %arg2[%add3A_60] : memref<1638400xi32, #tpu.memory_space<hbm>> -> memref<6400xi32, #tpu.memory_space<hbm>>
    tpu.wait_dma2 semaphore(%arg28 : memref<!tpu.dma_semaphore, #tpu.memory_space<semaphore_mem>>) src(%dma_wait3A_61 : memref<6400xi32, #tpu.memory_space<hbm>>) dst(%arg11 : memref<6400xi32, #tpu.memory_space<vmem>>)
    %dma_wait3A_62 = tpu.memref_slice %arg3[%add3A_60] : memref<1638400xi32, #tpu.memory_space<hbm>> -> memref<6400xi32, #tpu.memory_space<hbm>>
    %dma_wait3A_63 = tpu.memref_slice %arg3[%add3A_60] : memref<1638400xi32, #tpu.memory_space<hbm>> -> memref<6400xi32, #tpu.memory_space<hbm>>
    tpu.wait_dma2 semaphore(%arg28 : memref<!tpu.dma_semaphore, #tpu.memory_space<semaphore_mem>>) src(%dma_wait3A_63 : memref<6400xi32, #tpu.memory_space<hbm>>) dst(%arg14 : memref<6400xi32, #tpu.memory_space<vmem>>)
    %add3A_64 = arith.constant 6400 : i32
    %add3A_65 = arith.addi %mul3A_4, %add3A_64 : i32
    %dma_wait3A_66 = tpu.memref_slice %arg2[%add3A_65] : memref<1638400xi32, #tpu.memory_space<hbm>> -> memref<6400xi32, #tpu.memory_space<hbm>>
    %dma_wait3A_67 = tpu.memref_slice %arg2[%add3A_65] : memref<1638400xi32, #tpu.memory_space<hbm>> -> memref<6400xi32, #tpu.memory_space<hbm>>
    tpu.wait_dma2 semaphore(%arg29 : memref<!tpu.dma_semaphore, #tpu.memory_space<semaphore_mem>>) src(%dma_wait3A_67 : memref<6400xi32, #tpu.memory_space<hbm>>) dst(%arg12 : memref<6400xi32, #tpu.memory_space<vmem>>)
    %dma_wait3A_68 = tpu.memref_slice %arg3[%add3A_65] : memref<1638400xi32, #tpu.memory_space<hbm>> -> memref<6400xi32, #tpu.memory_space<hbm>>
    %dma_wait3A_69 = tpu.memref_slice %arg3[%add3A_65] : memref<1638400xi32, #tpu.memory_space<hbm>> -> memref<6400xi32, #tpu.memory_space<hbm>>
    tpu.wait_dma2 semaphore(%arg29 : memref<!tpu.dma_semaphore, #tpu.memory_space<semaphore_mem>>) src(%dma_wait3A_69 : memref<6400xi32, #tpu.memory_space<hbm>>) dst(%arg15 : memref<6400xi32, #tpu.memory_space<vmem>>)
    %scan3A_70 = arith.constant 0 : i32
    %scan3A_71 = arith.constant 0 : i32
    %scan3A_72 = arith.constant 391 : i32
    %scan3A_73 = arith.addi %scan3A_71, %scan3A_72 : i32
    %scan3A_74 = arith.constant 1 : i32
    scf.for %scan3A_78 = %scan3A_71 to %scan3A_73 step %scan3A_74  : i32 {
      %mul3A_79 = arith.constant 16 : i32
      %mul3A_80 = arith.muli %scan3A_78, %mul3A_79 : i32
      %get3A = arith.index_cast %mul3A_80 : i32 to index
      %get3A_81 = tpu.vector_load %arg22[%get3A] {strides = array<i32>} : memref<6256xf32, #tpu.memory_space<vmem>>, vector<16xf32>,
      %get3A_82 = arith.index_cast %mul3A_80 : i32 to index
      %get3A_83 = tpu.vector_load %arg23[%get3A_82] {strides = array<i32>} : memref<6256xf32, #tpu.memory_space<vmem>>, vector<16xf32>,
      %mul3A_84 = arith.mulf %get3A_81, %get3A_83 : vector<16xf32>
      %swap3A = arith.index_cast %mul3A_80 : i32 to index
      %swap3A_85 = tpu.vector_load %arg24[%swap3A] {strides = array<i32>} : memref<6256xf32, #tpu.memory_space<vmem>>, vector<16xf32>,
      tpu.vector_store %arg24[%swap3A], %mul3A_84 {strides = array<i32>} : memref<6256xf32, #tpu.memory_space<vmem>>, vector<16xf32>,
    }
    %scan3A_75 = arith.constant 391 : i32
    %eq3A = arith.constant 0 : i32
    %eq3A_76 = arith.cmpi eq, %arg0, %eq3A : i32
    %convert_element_type3A = arith.extui %eq3A_76 : i1 to i32
    %cond3A = arith.constant 0 : i32
    %cond3A_77 = arith.cmpi ne, %convert_element_type3A, %cond3A : i32
    scf.if %cond3A_77 {
      "tpu.region"() ({
        %run_scoped3A = tpu.sem_alloc : memref<!tpu.dma_semaphore, #tpu.memory_space<semaphore_mem>>
        %dma_start3A_78 = tpu.memref_slice %arg6[%mul3A_0] : memref<100096xf32, #tpu.memory_space<hbm>> -> memref<6256xf32, #tpu.memory_space<hbm>>
        %dma_start3A_79 = tpu.memref_slice %arg6[%mul3A_0] : memref<100096xf32, #tpu.memory_space<hbm>> -> memref<6256xf32, #tpu.memory_space<hbm>>
        tpu.enqueue_dma source(%arg24 : memref<6256xf32, #tpu.memory_space<vmem>>) target(%dma_start3A_79 : memref<6256xf32, #tpu.memory_space<hbm>>) target_semaphore(%run_scoped3A : memref<!tpu.dma_semaphore, #tpu.memory_space<semaphore_mem>>)
        %dma_wait3A_80 = tpu.memref_slice %arg6[%mul3A_0] : memref<100096xf32, #tpu.memory_space<hbm>> -> memref<6256xf32, #tpu.memory_space<hbm>>
        %dma_wait3A_81 = tpu.memref_slice %arg6[%mul3A_0] : memref<100096xf32, #tpu.memory_space<hbm>> -> memref<6256xf32, #tpu.memory_space<hbm>>
        tpu.wait_dma2 semaphore(%run_scoped3A : memref<!tpu.dma_semaphore, #tpu.memory_space<semaphore_mem>>) src(%arg24 : memref<6256xf32, #tpu.memory_space<vmem>>) dst(%dma_wait3A_81 : memref<6256xf32, #tpu.memory_space<hbm>>)
        tpu.yield
      }) : () -> ()
    } else {
    }
    return
  }
}

</mosaic_0001>

<sc_bundles>
// kernel: kernel.3.cloned.1.call-start
scs
__scs_entry_jumppad:
0x0: {  	(pc) =	sbr.rel $0x88, $3  }
0x1: {  	(tag) =	ssettag $0x0;
	lr =	simm.s32 $0x1  }
0x2: {  	[smem:$0x3F9E] =	sst lr;
	_ =	strace $0xD0000000  }
0x3: {  	_ = 	snop  }
0x4: {  	_ = 	snop  }
0x5: {  	_ = 	snop  }
0x6: {  	_ = 	snop  }
0x7: {  	_ = 	snop  }
__scs_overlays_trampoline_lowered:
0x8: {  	[smem:$0x3FAD] =	sst s0  }
0x9: {  	[smem:$0x3FAE] =	sst s1  }
0xa: {  	[smem:$0x3FAF] =	sst s2  }
0xb: {  	[smem:$0x3FB0] =	sst s3  }
0xc: {  	[smem:$0x3FB1] =	sst s4  }
0xd: {  	[smem:$0x3FB2] =	sst s5  }
0xe: {  	[smem:$0x3FB3] =	sst s6  }
0xf: {  	[smem:$0x3FB4] =	sst s7  }
0x10: {  	[smem:$0x3FB5] =	sst s8  }
0x11: {  	[smem:$0x3FB6] =	sst s9;
	s0 =	simm.s32 @!p0 $0x0  }
0x12: {  	s1 =	sld [smem:$0x3F9C];
	s0 =	simm.s32 @p0 $0x1  }
0x13: {  	[smem:$0x3FB7] =	sst s0;
	s0 =	simm.s32 @!p1 $0x0  }
0x14: {  	s2 =	sld [smem:$0x3F9B];
	s0 =	simm.s32 @p1 $0x1  }
0x15: {  	[smem:$0x3FB8] =	sst s0;
	s0 =	simm.s32 @!p2 $0x0  }
0x16: {  	s3 =	sld [smem:$0x3FDB];
	s0 =	simm.s32 @p2 $0x1  }
0x17: {  	s4 =	simm.s32 $0x1BF5;
	[smem:$0x3FBA] =	sst s0  }
0x18: {  	s0 =	sld [smem:$0x3F9D];
	_ =	swait.ge [sflag:s4], $0x0  }
0x19: {  	s7 =	sld [smem:$0x3F9E]  }
0x1a: {  	s8 =	sadd.s32 $0xFFFFE003, lr  }
0x1b: {  	s9 =	sadd.s32 $0xFFFFFEF7, lr;
	s5 =	simm.s32 $0xFFFFFFFF;
	p2 =	slt.u32 s8, $0xFFFFF086  }
0x1c: {  	p1 =	slt.u32 s9, $0xF7A;
	s5 =	simm.s32 @!p2 $0x0  }
0x1d: {  	s5 =	simm.s32 @p1 $0x1;
	p0 =	seq.s32 s7, s2  }
0x1e: {  	s7 =	smul.u32 @!p0 $0xF7A, s2;
	p2 =	seq.s32 @!p0 s5, $0x0  }
0x1f: {  	s9 =	smul.u32 $0xF7A, s1;
	s8 =	simm.s32 @!p0 $0x1BF5;
	p2 =	por !p2, p0  }
0x20: {  	[sflag:s8] =	ssyncset.s32 @!p0 $0xFFFFF086;
	s6 =	sadd.s32 @!p0 s3, s7;
	s7 =	simm.s32 @!p0 $0x108  }
0x21: {  	s3 =	sadd.s32 s3, s9;
	s6 =	sadd.s32 @!p0 $0x88, s6;
	s7 =	simm.s32 @p2 $0x1082  }
0x22: {  	[simem:s7], [sflag:s8] =	dma.local @!p0 [hbm:s6], $0xF7A  }
0x23: {  	s9 =	sor.u32 $0xD0000000, s2;
	s6 =	simm.s32 $0x108;
	_ =	swait.ge @!p0 [sflag:s8], $0x0  }
0x24: {  	s3 =	sadd.s32 $0x88, s3;
	s6 =	simm.s32 @!p1 $0x1082;
	[sflag:s4] =	ssyncset.s32 $0xFFFFF086  }
0x25: {  	[simem:s6], [sflag:s4] =	dma.local [hbm:s3], $0xF7A  }
0x26: {  	[smem:$0x3F9E] =	sst s1;
	(tag) =	ssettag s2;
	_ =	strace s9  }
0x27: {  	s1 =	sld [smem:$0x3FAE]  }
0x28: {  	s2 =	sld [smem:$0x3FAF]  }
0x29: {  	s4 =	sld [smem:$0x3FB1]  }
0x2a: {  	p0 =	seq.s32 s5, $0x0;
	s5 =	sld [smem:$0x3FB2]  }
0x2b: {  	s6 =	sld [smem:$0x3FB3]  }
0x2c: {  	s7 =	sld [smem:$0x3FB4]  }
0x2d: {  	s3 =	simm.s32 $0x108;
	s8 =	sld [smem:$0x3FB5]  }
0x2e: {  	s3 =	simm.s32 @!p0 $0x1082;
	s9 =	sld [smem:$0x3FB6]  }
0x2f: {  	lr =	sadd.s32 s0, s3;
	s0 =	sld [smem:$0x3FAD]  }
0x30: {  	s3 =	sld [smem:$0x3FB0]  }
0x31: {  	[smem:$0x3FB9] =	sst s10  }
0x32: {  	s10 =	sld [smem:$0x3FB7];
	_ =	sdelay $0x3  }
0x33: {  	p0 =	seq.s32 s10, $0x1;
	s10 =	sld [smem:$0x3FB9];
	_ =	sdelay $0x3  }
0x34: {  	[smem:$0x3FB9] =	sst s10  }
0x35: {  	s10 =	sld [smem:$0x3FB8];
	_ =	sdelay $0x3  }
0x36: {  	p1 =	seq.s32 s10, $0x1;
	s10 =	sld [smem:$0x3FB9];
	_ =	sdelay $0x3  }
0x37: {  	[smem:$0x3FB9] =	sst s10  }
0x38: {  	s10 =	sld [smem:$0x3FBA]  }
0x39: {  	_ = 	snop;
	(pc) =	sbr.ind lr, $3  }
0x3a: {  	_ = 	snop  }
0x3b: {  	_ = 	snop  }
0x3c: {  	p2 =	seq.s32 s10, $0x1;
	s10 =	sld [smem:$0x3FB9]  }
0x3d: {  	_ =	shalt  }
0x3e: {  	_ =	shalt  }
0x3f: {  	_ =	shalt  }
0x40: {  	_ =	shalt  }
0x41: {  	_ =	shalt  }
0x42: {  	_ =	shalt  }
0x43: {  	_ =	shalt  }
0x44: {  	_ =	shalt  }
0x45: {  	_ =	shalt  }
0x46: {  	_ =	shalt  }
0x47: {  	_ =	shalt  }
0x48: {  	_ =	shalt  }
0x49: {  	_ =	shalt  }
0x4a: {  	_ =	shalt  }
0x4b: {  	_ =	shalt  }
0x4c: {  	_ =	shalt  }
0x4d: {  	_ =	shalt  }
0x4e: {  	_ =	shalt  }
0x4f: {  	_ =	shalt  }
0x50: {  	_ =	shalt  }
0x51: {  	_ =	shalt  }
0x52: {  	_ =	shalt  }
0x53: {  	_ =	shalt  }
0x54: {  	_ =	shalt  }
0x55: {  	_ =	shalt  }
0x56: {  	_ =	shalt  }
0x57: {  	_ =	shalt  }
0x58: {  	_ =	shalt  }
0x59: {  	_ =	shalt  }
0x5a: {  	_ =	shalt  }
0x5b: {  	_ =	shalt  }
0x5c: {  	_ =	shalt  }
0x5d: {  	_ =	shalt  }
0x5e: {  	_ =	shalt  }
0x5f: {  	_ =	shalt  }
0x60: {  	_ =	shalt  }
0x61: {  	_ =	shalt  }
0x62: {  	_ =	shalt  }
0x63: {  	_ =	shalt  }
0x64: {  	_ =	shalt  }
0x65: {  	_ =	shalt  }
0x66: {  	_ =	shalt  }
0x67: {  	_ =	shalt  }
0x68: {  	_ =	shalt  }
0x69: {  	_ =	shalt  }
0x6a: {  	_ =	shalt  }
0x6b: {  	_ =	shalt  }
0x6c: {  	_ =	shalt  }
0x6d: {  	_ =	shalt  }
0x6e: {  	_ =	shalt  }
0x6f: {  	_ =	shalt  }
0x70: {  	_ =	shalt  }
0x71: {  	_ =	shalt  }
0x72: {  	_ =	shalt  }
0x73: {  	_ =	shalt  }
0x74: {  	_ =	shalt  }
0x75: {  	_ =	shalt  }
0x76: {  	_ =	shalt  }
0x77: {  	_ =	shalt  }
0x78: {  	_ =	shalt  }
0x79: {  	_ =	shalt  }
0x7a: {  	_ =	shalt  }
0x7b: {  	_ =	shalt  }
0x7c: {  	_ =	shalt  }
0x7d: {  	_ =	shalt  }
0x7e: {  	_ =	shalt  }
0x7f: {  	_ =	shalt  }
0x80: {  	_ =	shalt  }
0x81: {  	_ =	shalt  }
0x82: {  	_ =	shalt  }
0x83: {  	_ =	shalt  }
0x84: {  	_ =	shalt  }
0x85: {  	_ =	shalt  }
0x86: {  	_ =	shalt  }
0x87: {  	_ =	shalt  }
.Lfunc_end0:
.L_simem_size_0:
called_computation_lowered:
.L_overlay_start_0:
0x88: {  	s2 =	sld [smem:$0x3FD9]  }
0x89: {  	s3 =	sld [smem:$0x3FFE];
	_ =	sdelay $0x1  }
0x8a: {  	s1 =	srdreg.scid  }
0x8b: {  	s0 =	sand.u32 $0x1, s1  }
0x8c: {  	s17 =	sshll.u32 s0, $0xA;
	s2 =	sadd.s32 s3, s2  }
0x8d: {  	s2 =	sadd.s32 s2, s17  }
0x8e: {  	[smem:$0x3FC5] =	sst s2  }
0x8f: {  	_ = 	snop  }
0x90: {  	s2 =	sld [smem:$0x3FD0];
	(tm) =	ssettm $0x1  }
0x91: {  	s18 =	sld [smem:$0x3FFB];
	_ =	sdelay $0x3  }
0x92: {  	_ =	strace s18  }
0x93: {  	s3 =	sld [smem:$0x3FFC];
	_ =	sdelay $0x3  }
0x94: {  	_ =	strace s3  }
0x95: {  	s3 =	sld [smem:$0x3FFD];
	_ =	sdelay $0x3  }
0x96: {  	_ =	strace s3  }
0x97: {  	_ =	strace $0x8FFFFFFF  }
0x98: {  	s19 =	sld [smem:$0x3FDB];
	_ =	sdelay $0x1  }
0x99: {  	s4 =	simm.s32 $_scs_section_size  }
0x9a: {  	s5 =	simm.s32 $_size__tile_overlayer_lowered;
	s6 =	simm.s32 $_tile_overlayer_lowered  }
0x9b: {  	s22 =	simm.s32 $0x1BFF;
	s21 =	sshll.u32 s6, $0x1;
	s3 =	sadd.s32 s4, s19  }
0x9c: {  	s7 =	simm.s32 $0x0;
	s20 =	sshll.u32 s5, $0x1;
	s5 =	sadd.s32 s21, s3  }
0x9d: {  	[timem:s7], [sflag:s22] =	dma.local [hbm:s5], s20  }
0x9e: {  	_ =	swait.ge [sflag:s22], s20  }
0x9f: {  	s4 =	ssub.s32 $0x0, s20;
	[sflag:s22] =	ssyncset.done $0x0  }
0xa0: {  	[sflag:s22] =	ssyncadd.s32 s4;
	_ =	sdelay $0x1  }
0xa1: {  	s23 =	simm.s32 $0x1B8B  }
0xa2: {  	_ =	swait.ge [sflag:s23], $0x1  }
0xa3: {  	[sflag:s23] =	ssyncset.done $0x0  }
0xa4: {  	s25 =	simm.s32 $0x1B8E;
	s24 =	sld [smem:$0x3FFE];
	[sflag:s23] =	ssyncadd.s32 $0xFFFFFFFF  }
0xa5: {  	s26 =	simm.s32 $execute0_lowered;
	[smem:$0x3FD2] =	sst s25  }
0xa6: {  	s5 =	sshll.u32 s26, $0x1;
	_ =	strace $0x80000046;
	[dreg:$0x1] =	wrdreg $0xFFFFFFFF  }
0xa7: {  	s28 =	simm.s32 $_size_execute0_lowered;
	s3 =	sadd.s32 s3, s5;
	[dreg:$0x0] =	wrdreg $0x0  }
0xa8: {  	s5 =	sshll.u32 s28, $0x1;
	[dreg:$0x2] =	wrdreg s3  }
0xa9: {  	[dreg:$0x3] =	wrdreg s5  }
0xaa: {  	[dreg:$0x4] =	wrdreg $0xC0  }
0xab: {  	_ =	task [dreg:s7], $0x5FFFF  }
0xac: {  	[dreg:$0x1] =	wrdreg $0xFFFFFFFF  }
0xad: {  	[dreg:$0x0] =	wrdreg $0x60  }
0xae: {  	[dreg:$0x2] =	wrdreg s24  }
0xaf: {  	[dreg:$0x3] =	wrdreg s2  }
0xb0: {  	[dreg:$0x4] =	wrdreg $0x18700  }
0xb1: {  	[dreg:$0x5] =	wrdreg $0x30E00  }
0xb2: {  	[dreg:$0x6] =	wrdreg $0x0  }
0xb3: {  	[dreg:$0x7] =	wrdreg $0x9  }
0xb4: {  	_ =	task.clear_ibuf [dreg:s7], $0x8FFFF;
	_ =	strace $0x90000046  }
0xb5: {  	s29 =	simm.s32 $0x9;
	_ =	strace $0x80000048  }
0xb6: {  	_ =	swait.ge [sflag:s29], $0x1  }
0xb7: {  	[sflag:s29] =	ssyncadd.s32 $0xFFFFFFFF  }
0xb8: {  	_ =	strace $0x90000048  }
0xb9: {  	_ =	sfence  }
0xba: {  	s30 =	sld [smem:$0x0];
	_ =	sdelay $0x2  }
0xbb: {  	s31 =	sshll.u32 s1, $0xD;
	s1 =	sshrl.u32 s1, $0x2  }
0xbc: {  	s3 =	sand.u32 $0x4000, s31;
	s1 =	sadd.s32 s1, s30  }
0xbd: {  	s0 =	sor.u32 s3, s0;
	s1 =	sshll.u32 s1, $0x11  }
0xbe: {  	s0 =	sor.u32 s1, s0  }
0xbf: {  	s0 =	sadd.s32 $0x8F2B, s0  }
0xc0: {  	[sflag:s0] =	ssyncadd.remote.s32 $0x1  }
0xc1: {  	_ =	sfence.sel $0xFFFF  }
0xc2: {  	[dreg:$0x0] =	wrdreg $0xFFFFFFFF;
	(pc) =	sbr.abs _section_cstart, $3  }
0xc3: {  	[dreg:$0x1] =	wrdreg $0xFFFFFFFF  }
0xc4: {  	_ =	task.clear_ibuf [dreg:s7], $0x2FFFF;
	_ =	strace $0x9FFFFFFF  }
0xc5: {  	(tm) =	ssettm $0x7FFFFFFF  }
tec
execute0_lowered:
.L_overlay_start_1:
0x0: {  	(tag) =	ssettag $0x1  }
0x1: {  	s0 =	rddreg [dreg:$0x0]  }
0x2: {  	s15 =	rddreg [dreg:$0x2]  }
0x3: {  	s1 =	rddreg [dreg:$0x3]  }
0x4: {  	s2 =	rddreg [dreg:$0x4];
	s3 =	simm.s32 $0x0  }
0x5: {  	s16 =	stileid.u32;
	s26 =	srdreg.scid;
	s30 =	simm.s32 $0x7  }
0x6: {  	s31 =	simm.s32 $0x159D0;
	[smem:$0x7FF] =	sst s3;
	s5 =	smul.u32 $0x1870, s16  }
0x7: {  	s4 =	sadd.s32 $0x32000, s0;
	s6 =	sand.u32 $0x1, s26;
	s3 =	simm.s32 $0x128D0  }
0x8: {  	_ =	strace $0x80000047;
	s8 =	ssub.s32 $0x2, s6;
	s9 =	smul.u32 $0x18700, s6  }
0x9: {  	s12 =	sxor.u32 $0x5, s6;
	s13 =	sshll.u32 s6, $0x4;
	p0 =	sne.s32 s6, $0x0  }
0xa: {  	s7 =	sshrl.u32 s5, $0x3;
	s11 =	sshrl.u32 s8, $0x1;
	s12 =	smul.u32 $0x18700, s12  }
0xb: {  	s28 =	sor.u32 s16, s13;
	s10 =	sadd.s32 s7, s0;
	s7 =	sadd.s32 $0x68800, s0  }
0xc: {  	s9 =	sadd.s32 s5, s9;
	s14 =	ssub.s32 s8, s11;
	s13 =	smul.u32 $0xC800, s28  }
0xd: {  	s8 =	sadd.s32 s5, s15;
	s15 =	sand.u32 $0x3, s26;
	s9 =	sshrl.u32 s9, $0x3  }
0xe: {  	s12 =	sadd.s32 s5, s12;
	s19 =	sadd.s32 $0x65600, s10;
	s21 =	sadd.s32 $0x7AE00, s10  }
0xf: {  	s22 =	smax.u32 s14, $0x1;
	s14 =	simm.s32 $0x4950;
	s29 =	sadd.s32 s7, s9  }
0x10: {  	s9 =	sadd.s32 s5, s1;
	s16 =	sshrl.u32 s12, $0x3;
	[dreg:$0x9] =	wrdreg s19  }
0x11: {  	s1 =	sxor.u32 $0x5, s15;
	s18 =	sshrl.u32 s13, $0x3;
	[dreg:$0xa] =	wrdreg s21  }
0x12: {  	s15 =	sadd.s32 s5, s2;
	[dreg:$0xb] =	wrdreg s22;
	s12 =	simm.s32 $0x6  }
0x13: {  	s13 =	simm.s32 $0x14150;
	s21 =	simm.s32 $0x9450;
	s22 =	simm.s32 $0x1  }
0x14: {  	s11 =	sadd.s32 $0xC380, s29;
	[dreg:$0x7] =	wrdreg s1;
	s17 =	sadd.s32 s7, s16  }
0x15: {  	s20 =	sadd.s32 $0x320, s18;
	[dreg:$0x8] =	wrdreg s17;
	s17 =	sadd.s32 s4, s18  }
0x16: {  	s16 =	sadd.s32 s0, s18;
	[dreg:$0x6] =	wrdreg s11;
	s23 =	sadd.s32 $0x640, s17  }
0x17: {  	s11 =	sshrl.u32 s26, $0x2;
	s24 =	sadd.s32 $0x960, s17;
	[dreg:$0xc] =	wrdreg s23  }
0x18: {  	s18 =	sadd.s32 s0, s20;
	s25 =	sadd.s32 $0xC80, s17;
	[dreg:$0xd] =	wrdreg s24  }
0x19: {  	s19 =	sadd.s32 s4, s20;
	s26 =	sadd.s32 $0xFA0, s17;
	[dreg:$0xe] =	wrdreg s25  }
0x1a: {  	s0 =	simm.s32 $0x7B50;
	s28 =	sadd.s32 $0x12C0, s17;
	[dreg:$0xf] =	wrdreg s26  }
0x1b: {  	s20 =	simm.s32 $0x6250;
	s29 =	sadd.s32 $0x15E0, s17;
	[dreg:$0x10] =	wrdreg s28  }
0x1c: {  	s4 =	simm.s32 $0x0;
	[dreg:$0x11] =	wrdreg s29;
	s23 =	simm.s32 $0x2  }
0x1d: {  	v0 =	vimm.f32 $0.0e+00;
	v1 =	vimm.f32 $1.000000000e+00;
	s24 =	simm.s32 $0x3;
	s25 =	simm.s32 $0x4;
	s26 =	simm.s32 $0x5  }
.LBB2_1:
0x1e: {  	[dreg:$0x12] =	wrdreg s4  }
0x1f: {  	s1 =	rddreg [dreg:$0x1];
	s2 =	simm.s32 $0x0;
	s29 =	simm.s32 $0x17250  }
0x20: {  	[tilespmem:s29], [sflag:$0x7] =	stream.linear.gather [hbm4b:s1+s2], $0x80, $0x38;
	[tilespmem:$0x172D0] =	vst v63  }
0x21: {  	_ =	swait.ge [sflag:s30], $0x80  }
0x22: {  	[sflag:s30] =	ssyncset.done $0x0  }
0x23: {  	s1 =	simm.s32 $0x0;
	[sflag:s30] =	ssyncadd.s32 $0xFFFFFF80  }
.LBB2_2:
0x24: {  	p1 =	sne.s32 s1, $0x6180  }
.Ltmp0:
0x25: {  	_ = 	snop;
	(pc) =	sbr.rel @p1 .LBB2_2-.Ltmp0, $3  }
0x26: {  	_ =	sdelay $0x1  }
0x27: {  	s2 =	sshra.s32 s1, $0x2  }
0x28: {  	s1 =	sadd.s32 $0x40, s1;
	[tilespmem:s2+$0x159D0] =	vst v0  }
0x29: {  	s1 =	simm.s32 $0x40;
	s2 =	simm.s32 $0x0  }
.LBB2_4:
0x2a: {  	p1 =	sne.s32 s1, $0x63C0;
	[tilespmem:s2+$0xAD50] =	vst v1;
	s2 =	smov.u32 s1;
	s1 =	sadd.s32 $0x40, s1  }
.Ltmp1:
0x2b: {  	(pc) =	sbr.rel @p1 .LBB2_4-.Ltmp1, $2  }
0x2c: {  	_ =	sdelay $0x2  }
0x2d: {  	s2 =	sshra.s32 s2, $0x2  }
0x2e: {  	[tilespmem:s2+$0xAD50] =	vst v1  }
0x2f: {  	[spmem:s8] =	stream.linear.scatter [tilespmem:s31], [sflag:$0x7], $0x1870, $0x38;
	[tilespmem:$0x172D0] =	vst v63  }
0x30: {  	_ =	swait.ge [sflag:s30], $0x1870  }
0x31: {  	[sflag:s30] =	ssyncset.done $0x0  }
0x32: {  	[sflag:s30] =	ssyncadd.s32 $0xFFFFE790  }
0x33: {  	[spmem:s9] =	stream.linear.scatter [tilespmem:s31], [sflag:$0x7], $0x1870, $0x38;
	[tilespmem:$0x172D0] =	vst v63  }
0x34: {  	_ =	swait.ge [sflag:s30], $0x1870  }
0x35: {  	[sflag:s30] =	ssyncset.done $0x0  }
0x36: {  	[sflag:s30] =	ssyncadd.s32 $0xFFFFE790  }
0x37: {  	s1 =	simm.s32 $0x0;
	[bflag:$0x0] =	sbarrier.arrive $0xFFFF  }
0x38: {  	[tilespmem:s0], [sflag:$0x7] =	stream.linear.gather [hbm4b:s17+s1], $0x1900, $0x38;
	[tilespmem:$0x172D0] =	vst v63  }
0x39: {  	_ =	swait.ge [sflag:s30], $0x1900  }
0x3a: {  	[sflag:s30] =	ssyncset.done $0x0  }
0x3b: {  	[sflag:s30] =	ssyncadd.s32 $0xFFFFE700  }
0x3c: {  	s10 =	simm.s32 $0x1900;
	s28 =	simm.s32 $0xAD50;
	s2 =	rddreg [dreg:$0x2]  }
0x3d: {  	[spmem:s2] =	stream.indirect.scatter.add.f32 [tilespmem:s28], [sflag:$0x7], $0x1, s0, s10, $0xb8;
	[tilespmem:$0x172D0] =	vst v63  }
0x3e: {  	_ =	swait.ge [sflag:s30], $0x1900  }
0x3f: {  	[sflag:s30] =	ssyncset.done $0x0  }
0x40: {  	[sflag:s30] =	ssyncadd.s32 $0xFFFFE700  }
0x41: {  	[tilespmem:s0], [sflag:$0x7] =	stream.linear.gather [hbm4b:s19+s1], $0x1900, $0x38;
	[tilespmem:$0x172D0] =	vst v63  }
0x42: {  	_ =	swait.ge [sflag:s30], $0x1900  }
0x43: {  	[sflag:s30] =	ssyncset.done $0x0  }
0x44: {  	[sflag:s30] =	ssyncadd.s32 $0xFFFFE700  }
0x45: {  	[spmem:s2] =	stream.indirect.scatter.add.f32 [tilespmem:s28], [sflag:$0x7], $0x1, s0, s10, $0xb8;
	[tilespmem:$0x172D0] =	vst v63  }
0x46: {  	_ =	swait.ge [sflag:s30], $0x1900  }
0x47: {  	[sflag:s30] =	ssyncset.done $0x0  }
0x48: {  	s4 =	rddreg [dreg:$0xc];
	[sflag:s30] =	ssyncadd.s32 $0xFFFFE700  }
0x49: {  	[tilespmem:s0], [sflag:$0x7] =	stream.linear.gather [hbm4b:s4+s1], $0x1900, $0x38;
	[tilespmem:$0x172D0] =	vst v63  }
0x4a: {  	_ =	swait.ge [sflag:s30], $0x1900  }
0x4b: {  	[sflag:s30] =	ssyncset.done $0x0  }
0x4c: {  	[sflag:s30] =	ssyncadd.s32 $0xFFFFE700  }
0x4d: {  	[spmem:s2] =	stream.indirect.scatter.add.f32 [tilespmem:s28], [sflag:$0x7], $0x1, s0, s10, $0xb8;
	[tilespmem:$0x172D0] =	vst v63  }
0x4e: {  	_ =	swait.ge [sflag:s30], $0x1900  }
0x4f: {  	[sflag:s30] =	ssyncset.done $0x0  }
0x50: {  	s29 =	rddreg [dreg:$0xd];
	[sflag:s30] =	ssyncadd.s32 $0xFFFFE700  }
0x51: {  	[tilespmem:s0], [sflag:$0x7] =	stream.linear.gather [hbm4b:s29+s1], $0x1900, $0x38;
	[tilespmem:$0x172D0] =	vst v63  }
0x52: {  	_ =	swait.ge [sflag:s30], $0x1900  }
0x53: {  	[sflag:s30] =	ssyncset.done $0x0  }
0x54: {  	[sflag:s30] =	ssyncadd.s32 $0xFFFFE700  }
0x55: {  	[spmem:s2] =	stream.indirect.scatter.add.f32 [tilespmem:s28], [sflag:$0x7], $0x1, s0, s10, $0xb8;
	[tilespmem:$0x172D0] =	vst v63  }
0x56: {  	_ =	swait.ge [sflag:s30], $0x1900  }
0x57: {  	[sflag:s30] =	ssyncset.done $0x0  }
0x58: {  	s29 =	rddreg [dreg:$0xe];
	[sflag:s30] =	ssyncadd.s32 $0xFFFFE700  }
0x59: {  	[tilespmem:s0], [sflag:$0x7] =	stream.linear.gather [hbm4b:s29+s1], $0x1900, $0x38;
	[tilespmem:$0x172D0] =	vst v63  }
0x5a: {  	_ =	swait.ge [sflag:s30], $0x1900  }
0x5b: {  	[sflag:s30] =	ssyncset.done $0x0  }
0x5c: {  	[sflag:s30] =	ssyncadd.s32 $0xFFFFE700  }
0x5d: {  	[spmem:s2] =	stream.indirect.scatter.add.f32 [tilespmem:s28], [sflag:$0x7], $0x1, s0, s10, $0xb8;
	[tilespmem:$0x172D0] =	vst v63  }
0x5e: {  	_ =	swait.ge [sflag:s30], $0x1900  }
0x5f: {  	[sflag:s30] =	ssyncset.done $0x0  }
0x60: {  	s29 =	rddreg [dreg:$0xf];
	[sflag:s30] =	ssyncadd.s32 $0xFFFFE700  }
0x61: {  	[tilespmem:s0], [sflag:$0x7] =	stream.linear.gather [hbm4b:s29+s1], $0x1900, $0x38;
	[tilespmem:$0x172D0] =	vst v63  }
0x62: {  	_ =	swait.ge [sflag:s30], $0x1900  }
0x63: {  	[sflag:s30] =	ssyncset.done $0x0  }
0x64: {  	[sflag:s30] =	ssyncadd.s32 $0xFFFFE700  }
0x65: {  	[spmem:s2] =	stream.indirect.scatter.add.f32 [tilespmem:s28], [sflag:$0x7], $0x1, s0, s10, $0xb8;
	[tilespmem:$0x172D0] =	vst v63  }
0x66: {  	_ =	swait.ge [sflag:s30], $0x1900  }
0x67: {  	[sflag:s30] =	ssyncset.done $0x0  }
0x68: {  	s29 =	rddreg [dreg:$0x10];
	[sflag:s30] =	ssyncadd.s32 $0xFFFFE700  }
0x69: {  	[tilespmem:s0], [sflag:$0x7] =	stream.linear.gather [hbm4b:s29+s1], $0x1900, $0x38;
	[tilespmem:$0x172D0] =	vst v63  }
0x6a: {  	_ =	swait.ge [sflag:s30], $0x1900  }
0x6b: {  	[sflag:s30] =	ssyncset.done $0x0  }
0x6c: {  	[sflag:s30] =	ssyncadd.s32 $0xFFFFE700  }
0x6d: {  	[spmem:s2] =	stream.indirect.scatter.add.f32 [tilespmem:s28], [sflag:$0x7], $0x1, s0, s10, $0xb8;
	[tilespmem:$0x172D0] =	vst v63  }
0x6e: {  	_ =	swait.ge [sflag:s30], $0x1900  }
0x6f: {  	[sflag:s30] =	ssyncset.done $0x0  }
0x70: {  	s29 =	rddreg [dreg:$0x11];
	[sflag:s30] =	ssyncadd.s32 $0xFFFFE700  }
0x71: {  	[tilespmem:s0], [sflag:$0x7] =	stream.linear.gather [hbm4b:s29+s1], $0x1900, $0x38;
	[tilespmem:$0x172D0] =	vst v63  }
0x72: {  	_ =	swait.ge [sflag:s30], $0x1900  }
0x73: {  	[sflag:s30] =	ssyncset.done $0x0  }
0x74: {  	[sflag:s30] =	ssyncadd.s32 $0xFFFFE700  }
0x75: {  	[spmem:s2] =	stream.indirect.scatter.add.f32 [tilespmem:s28], [sflag:$0x7], $0x1, s0, s10, $0xb8;
	[tilespmem:$0x172D0] =	vst v63  }
0x76: {  	_ =	swait.ge [sflag:s30], $0x1900  }
0x77: {  	[sflag:s30] =	ssyncset.done $0x0  }
0x78: {  	[sflag:s30] =	ssyncadd.s32 $0xFFFFE700  }
0x79: {  	[bflag:$0x0] =	sbarrier.arrive $0xFFFF  }
0x7a: {  	[tilespmem:s3], [sflag:$0x7] =	stream.linear.gather [spmem:s8], $0x1870, $0x38;
	[tilespmem:$0x172D0] =	vst v63  }
0x7b: {  	_ =	swait.ge [sflag:s30], $0x1870  }
0x7c: {  	[sflag:s30] =	ssyncset.done $0x0  }
0x7d: {  	s29 =	rddreg [dreg:$0x6];
	[sflag:s30] =	ssyncadd.s32 $0xFFFFE790  }
0x7e: {  	[hbm4b:s29+s1] =	stream.linear.scatter [tilespmem:s3], [sflag:$0x7], $0x1870, $0x38;
	[tilespmem:$0x172D0] =	vst v63  }
0x7f: {  	_ =	swait.ge [sflag:s30], $0x1870  }
0x80: {  	[sflag:s30] =	ssyncset.done $0x0  }
0x81: {  	[sflag:s30] =	ssyncadd.s32 $0xFFFFE790  }
0x82: {  	[spmem:s8] =	stream.linear.scatter [tilespmem:s31], [sflag:$0x7], $0x1870, $0x38;
	[tilespmem:$0x172D0] =	vst v63  }
0x83: {  	_ =	swait.ge [sflag:s30], $0x1870  }
0x84: {  	[sflag:s30] =	ssyncset.done $0x0  }
0x85: {  	s4 =	simm.s32 $0x100000;
	[sflag:s30] =	ssyncadd.s32 $0xFFFFE790  }
0x86: {  	[smem:s4], [sflag:$0x0] =	smem.add.s32 $0x0  }
0x87: {  	_ =	swait.done [sflag:s1]  }
0x88: {  	s10 =	ssyncread [sflag:$0x0]  }
0x89: {  	s29 =	stileid.u32  }
0x8a: {  	s4 =	sshll.u32 s29, $0x6;
	s29 =	rddreg [dreg:$0x7]  }
0x8b: {  	s28 =	sadd.s32 s11, s10;
	s10 =	sor.u32 $0x1C06, s4;
	s4 =	sshll.u32 s29, $0xE  }
0x8c: {  	[sflag:s1] =	ssyncset.s32 $0x0;
	s2 =	sor.u32 s4, s10;
	s10 =	sshll.u32 s28, $0x11  }
0x8d: {  	[sflag:s1] =	ssyncset.done $0x0;
	s4 =	sor.u32 s10, s2  }
0x8e: {  	[sflag:s4] =	ssyncadd.remote.s32 $0x1  }
0x8f: {  	_ =	swait.ge [sflag:s12], $0x1  }
0x90: {  	[sflag:s12] =	ssyncset.done $0x0  }
0x91: {  	s29 =	rddreg [dreg:$0x8];
	[sflag:s12] =	ssyncadd.s32 $0xFFFFFFFF  }
0x92: {  	[tilespmem:s13], [sflag:$0x7] =	stream.linear.gather [hbm4b:s29+s1], $0x1870, $0x38;
	[tilespmem:$0x172D0] =	vst v63  }
0x93: {  	_ =	swait.ge [sflag:s30], $0x1870  }
0x94: {  	[sflag:s30] =	ssyncset.done $0x0  }
0x95: {  	s29 =	simm.s32 $0xC650;
	s10 =	rddreg [dreg:$0x9];
	[sflag:s30] =	ssyncadd.s32 $0xFFFFE790  }
0x96: {  	[tilespmem:s29], [sflag:$0x7] =	stream.linear.gather [hbm4b:s10+s1], $0x1870, $0x38;
	[tilespmem:$0x172D0] =	vst v63  }
0x97: {  	_ =	swait.ge [sflag:s30], $0x1870  }
0x98: {  	[sflag:s30] =	ssyncset.done $0x0  }
0x99: {  	s1 =	simm.s32 $0x0;
	[sflag:s30] =	ssyncadd.s32 $0xFFFFE790  }
0x9a: {  	v2 =	vld [tilespmem:s1+$0x128D0]  }
0x9b: {  	v3 =	vld [tilespmem:s1+$0x14150];
	_ =	sdelay $0x4  }
0x9c: {  	v2 =	vadd.f32 v3, v2;
	_ =	sdelay $0x1  }
0x9d: {  	v3 =	vadd.f32 $1.000000000e+00, v2;
	_ =	sdelay $0x1  }
0x9e: {  	v2 =	vshra.s32 v3, $0x1;
	v4 =	vmul.f32 $5.000000000e-01, v3  }
0x9f: {  	v2 =	vsub.s32 $0x5F3759DF, v2  }
0xa0: {  	v5 =	vmul.f32 v2, v4;
	_ =	sdelay $0x1  }
0xa1: {  	v5 =	vmul.f32 v2, v5;
	_ =	sdelay $0x1  }
0xa2: {  	v5 =	vsub.f32 $1.500000000e+00, v5;
	_ =	sdelay $0x1  }
0xa3: {  	v2 =	vmul.f32 v2, v5;
	_ =	sdelay $0x1  }
0xa4: {  	v5 =	vmul.f32 v2, v4;
	_ =	sdelay $0x1  }
0xa5: {  	v5 =	vmul.f32 v5, v2;
	_ =	sdelay $0x1  }
0xa6: {  	v5 =	vsub.f32 $1.500000000e+00, v5;
	_ =	sdelay $0x1  }
0xa7: {  	v2 =	vmul.f32 v5, v2;
	_ =	sdelay $0x1  }
0xa8: {  	v5 =	vmul.f32 v2, v4  }
0xa9: {  	(erf) = vrcp.f32 v3  }
0xaa: {  	v5 =	vmul.f32 v5, v2;
	_ =	sdelay $0x1  }
0xab: {  	v5 =	vsub.f32 $1.500000000e+00, v5;
	_ =	sdelay $0x1  }
0xac: {  	v2 =	vmul.f32 v5, v2;
	_ =	sdelay $0x1  }
0xad: {  	v4 =	vmul.f32 v2, v4;
	_ =	sdelay $0x1  }
0xae: {  	v5 =	vpop (erf);
	v4 =	vmul.f32 v4, v2  }
0xaf: {  	[tilespmem:s1+$0xDF50] =	vst v5;
	v5 =	vld [tilespmem:s1+$0xC650]  }
0xb0: {  	v4 =	vsub.f32 $1.500000000e+00, v4;
	_ =	sdelay $0x1  }
0xb1: {  	v6 =	vmul.f32 v4, v2;
	_ =	sdelay $0x1  }
0xb2: {  	v2 =	vmul.f32 v6, v5  }
0xb3: {  	s28 =	simm.s32 $0x10;
	v3 =	vmul.f32 v6, v3  }
0xb4: {  	s4 =	simm.s32 $0x80;
	v4 =	vld [tilespmem:s28+$0x128D0];
	[tilespmem:s1+$0x14150] =	vst v2  }
.LBB2_6:
0xb5: {  	p1 =	sne.s32 s4, $0x6180;
	v5 =	vld [tilespmem:s28+$0x14150];
	[tilespmem:s1+$0xF7D0] =	vst v3  }
0xb6: {  	[tilespmem:s1+$0x11050] =	vst v2;
	s1 =	smov.u32 s28;
	_ =	sdelay $0x3  }
0xb7: {  	v2 =	vadd.f32 v5, v4;
	_ =	sdelay $0x1  }
0xb8: {  	v2 =	vadd.f32 $1.000000000e+00, v2;
	_ =	sdelay $0x1  }
0xb9: {  	v3 =	vshra.s32 v2, $0x1;
	v4 =	vmul.f32 $5.000000000e-01, v2;
	(erf) = vrcp.f32 v2  }
0xba: {  	v3 =	vsub.s32 $0x5F3759DF, v3  }
0xbb: {  	v5 =	vmul.f32 v3, v4;
	_ =	sdelay $0x1  }
0xbc: {  	v5 =	vmul.f32 v3, v5;
	_ =	sdelay $0x1  }
0xbd: {  	v6 =	vsub.f32 $1.500000000e+00, v5;
	_ =	sdelay $0x1  }
0xbe: {  	v3 =	vmul.f32 v3, v6  }
0xbf: {  	v5 =	vpop (erf)  }
0xc0: {  	[tilespmem:s1+$0xDF50] =	vst v5;
	v5 =	vmul.f32 v3, v4;
	_ =	sdelay $0x1  }
0xc1: {  	v5 =	vmul.f32 v5, v3;
	_ =	sdelay $0x1  }
0xc2: {  	v5 =	vsub.f32 $1.500000000e+00, v5;
	_ =	sdelay $0x1  }
0xc3: {  	v3 =	vmul.f32 v5, v3;
	_ =	sdelay $0x1  }
0xc4: {  	v5 =	vmul.f32 v3, v4;
	_ =	sdelay $0x1  }
0xc5: {  	v5 =	vmul.f32 v5, v3;
	_ =	sdelay $0x1  }
0xc6: {  	v5 =	vsub.f32 $1.500000000e+00, v5;
	_ =	sdelay $0x1  }
0xc7: {  	v3 =	vmul.f32 v5, v3;
	_ =	sdelay $0x1  }
0xc8: {  	v4 =	vmul.f32 v3, v4;
	_ =	sdelay $0x1  }
0xc9: {  	v4 =	vmul.f32 v4, v3  }
0xca: {  	v5 =	vld [tilespmem:s1+$0xC650]  }
0xcb: {  	v4 =	vsub.f32 $1.500000000e+00, v4;
	_ =	sdelay $0x1  }
.Ltmp2:
0xcc: {  	v4 =	vmul.f32 v4, v3;
	(pc) =	sbr.rel @p1 .LBB2_6-.Ltmp2, $4  }
0xcd: {  	_ = 	snop  }
0xce: {  	v3 =	vmul.f32 v4, v2;
	v2 =	vmul.f32 v4, v5  }
0xcf: {  	s28 =	sshra.s32 s4, $0x2  }
0xd0: {  	s4 =	sadd.s32 $0x40, s4;
	v4 =	vld [tilespmem:s28+$0x128D0];
	[tilespmem:s1+$0x14150] =	vst v2  }
0xd1: {  	v5 =	vld [tilespmem:s28+$0x14150];
	_ =	sdelay $0x4  }
0xd2: {  	v4 =	vadd.f32 v5, v4;
	_ =	sdelay $0x1  }
0xd3: {  	v4 =	vadd.f32 $1.000000000e+00, v4;
	_ =	sdelay $0x1  }
0xd4: {  	v63 =	vshra.s32 v4, $0x1;
	v6 =	vmul.f32 $5.000000000e-01, v4  }
0xd5: {  	v5 =	vsub.s32 $0x5F3759DF, v63  }
0xd6: {  	v7 =	vmul.f32 v5, v6;
	_ =	sdelay $0x1  }
0xd7: {  	v7 =	vmul.f32 v5, v7;
	_ =	sdelay $0x1  }
0xd8: {  	v7 =	vsub.f32 $1.500000000e+00, v7;
	_ =	sdelay $0x1  }
0xd9: {  	v5 =	vmul.f32 v5, v7;
	_ =	sdelay $0x1  }
0xda: {  	v7 =	vmul.f32 v5, v6;
	_ =	sdelay $0x1  }
0xdb: {  	v7 =	vmul.f32 v7, v5;
	_ =	sdelay $0x1  }
0xdc: {  	v7 =	vsub.f32 $1.500000000e+00, v7;
	_ =	sdelay $0x1  }
0xdd: {  	v5 =	vmul.f32 v7, v5;
	_ =	sdelay $0x1  }
0xde: {  	(erf) = vrcp.f32 v4;
	v7 =	vmul.f32 v5, v6;
	_ =	sdelay $0x1  }
0xdf: {  	v7 =	vmul.f32 v7, v5;
	_ =	sdelay $0x1  }
0xe0: {  	v7 =	vsub.f32 $1.500000000e+00, v7;
	_ =	sdelay $0x1  }
0xe1: {  	v5 =	vmul.f32 v7, v5;
	_ =	sdelay $0x1  }
0xe2: {  	[tilespmem:s1+$0xF7D0] =	vst v3;
	v3 =	vmul.f32 v5, v6  }
0xe3: {  	[tilespmem:s1+$0x11050] =	vst v2;
	v2 =	vpop (erf)  }
0xe4: {  	[tilespmem:s28+$0xDF50] =	vst v2;
	v2 =	vmul.f32 v3, v5  }
0xe5: {  	v3 =	vld [tilespmem:s28+$0xC650]  }
0xe6: {  	v2 =	vsub.f32 $1.500000000e+00, v2;
	_ =	sdelay $0x1  }
0xe7: {  	v2 =	vmul.f32 v2, v5;
	_ =	sdelay $0x1  }
0xe8: {  	v3 =	vmul.f32 v2, v3  }
0xe9: {  	v2 =	vmul.f32 v2, v4  }
0xea: {  	[tilespmem:s28+$0x14150] =	vst v3  }
0xeb: {  	[tilespmem:s28+$0xF7D0] =	vst v2  }
0xec: {  	[tilespmem:s28+$0x11050] =	vst v3  }
0xed: {  	[spmem:s15] =	stream.linear.scatter [tilespmem:s13], [sflag:$0x7], $0x1870, $0x38;
	[tilespmem:$0x172D0] =	vst v63  }
0xee: {  	_ =	swait.ge [sflag:s30], $0x1870  }
0xef: {  	[sflag:s30] =	ssyncset.done $0x0  }
0xf0: {  	s1 =	simm.s32 $0x0;
	[sflag:s30] =	ssyncadd.s32 $0xFFFFE790  }
0xf1: {  	[tilespmem:s14], [sflag:$0x1] =	stream.linear.gather [hbm4b:s16+s1], $0x1900, $0x38;
	[tilespmem:$0x172D0] =	vst v63  }
0xf2: {  	_ = 	snop  }
0xf3: {  	[tilespmem:s0], [sflag:$0x1] =	stream.linear.gather [hbm4b:s17+s1], $0x1900, $0x38;
	[tilespmem:$0x172D0] =	vst v63  }
0xf4: {  	_ = 	snop  }
0xf5: {  	[tilespmem:s20], [sflag:$0x2] =	stream.linear.gather [hbm4b:s18+s1], $0x1900, $0x38;
	[tilespmem:$0x172D0] =	vst v63  }
0xf6: {  	_ = 	snop  }
0xf7: {  	[tilespmem:s21], [sflag:$0x2] =	stream.linear.gather [hbm4b:s19+s1], $0x1900, $0x38;
	[tilespmem:$0x172D0] =	vst v63  }
0xf8: {  	s4 =	simm.s32 $0x0;
	[bflag:$0x0] =	sbarrier.arrive $0xFFFF  }
.LBB2_8:
0xf9: {  	v2 =	vmov s4;
	_ =	sdelay $0x3  }
0xfa: {  	s10 =	simm.s32 $0x17250  }
0xfb: {  	v2 =	vld.idx.msk [tilespmem:v2+s10+$0x0], $0xffff;
	_ =	swait.ge [sflag:s22], $0x1900  }
0xfc: {  	[sflag:s22] =	ssyncset.done $0x0  }
0xfd: {  	[sflag:s22] =	ssyncadd.s32 $0xFFFFE700  }
0xfe: {  	_ =	swait.ge [sflag:s22], $0x1900  }
0xff: {  	[sflag:s22] =	ssyncset.done $0x0  }
0x100: {  	[sflag:s22] =	ssyncadd.s32 $0xFFFFE700  }
0x101: {  	_ =	swait.ge [sflag:s23], $0x1900  }
0x102: {  	[sflag:s23] =	ssyncset.done $0x0  }
0x103: {  	[sflag:s23] =	ssyncadd.s32 $0xFFFFE700  }
0x104: {  	_ =	swait.ge [sflag:s23], $0x1900  }
0x105: {  	[sflag:s23] =	ssyncset.done $0x0  }
0x106: {  	[sflag:s23] =	ssyncadd.s32 $0xFFFFE700  }
0x107: {  	[tilespmem:s14], [sflag:$0x1] =	stream.linear.gather [hbm4b:s16+s1], $0x1900, $0x38;
	[tilespmem:$0x172D0] =	vst v63  }
0x108: {  	_ = 	snop  }
0x109: {  	[tilespmem:s0], [sflag:$0x1] =	stream.linear.gather [hbm4b:s17+s1], $0x1900, $0x38;
	[tilespmem:$0x172D0] =	vst v63  }
0x10a: {  	_ = 	snop  }
0x10b: {  	[tilespmem:s20], [sflag:$0x2] =	stream.linear.gather [hbm4b:s18+s1], $0x1900, $0x38;
	[tilespmem:$0x172D0] =	vst v63  }
0x10c: {  	_ = 	snop  }
0x10d: {  	[tilespmem:s21], [sflag:$0x2] =	stream.linear.gather [hbm4b:s19+s1], $0x1900, $0x38;
	[tilespmem:$0x172D0] =	vst v63  }
0x10e: {  	[bflag:$0x0] =	sbarrier.arrive $0xFFFF  }
0x10f: {  	[tilespmem:s3], [sflag:$0x3] =	stream.linear.gather [spmem:s8], $0x1870, $0x38;
	[tilespmem:$0x172D0] =	vst v63  }
0x110: {  	_ = 	snop  }
0x111: {  	[tilespmem:s13], [sflag:$0x4] =	stream.linear.gather [spmem:s9], $0x1870, $0x38;
	[tilespmem:$0x172D0] =	vst v63  }
0x112: {  	_ =	swait.ge [sflag:s24], $0x1870  }
0x113: {  	[sflag:s24] =	ssyncset.done $0x0  }
0x114: {  	[sflag:s24] =	ssyncadd.s32 $0xFFFFE790  }
0x115: {  	_ =	swait.ge [sflag:s25], $0x1870  }
0x116: {  	[sflag:s25] =	ssyncset.done $0x0  }
0x117: {  	[sflag:s25] =	ssyncadd.s32 $0xFFFFE790  }
0x118: {  	[spmem:s8] =	stream.linear.scatter [tilespmem:s31], [sflag:$0x3], $0x1870, $0x38;
	[tilespmem:$0x172D0] =	vst v63  }
0x119: {  	s28 =	simm.s32 $0x0  }
0x11a: {  	[spmem:s9] =	stream.linear.scatter [tilespmem:s31], [sflag:$0x4], $0x1870, $0x38;
	[tilespmem:$0x172D0] =	vst v63  }
0x11b: {  	s29 =	simm.s32 $0x40;
	v3 =	vld [tilespmem:s28+$0x14150]  }
.LBB2_9:
0x11c: {  	p1 =	sne.s32 s29, $0x6180;
	v4 =	vld [tilespmem:s28+$0x128D0];
	_ =	sdelay $0x2  }
.Ltmp3:
0x11d: {  	(pc) =	sbr.rel @p1 .LBB2_9-.Ltmp3, $4  }
0x11e: {  	_ = 	snop  }
0x11f: {  	v4 =	vsub.f32 v4, v3  }
0x120: {  	s10 =	sshra.s32 s29, $0x2  }
0x121: {  	s29 =	sadd.s32 $0x40, s29;
	v3 =	vld [tilespmem:s10+$0x14150];
	[tilespmem:s28+$0x128D0] =	vst v4;
	s28 =	smov.u32 s10  }
0x122: {  	v4 =	vld [tilespmem:s28+$0x128D0];
	s10 =	sshll.u32 s4, $0x1  }
0x123: {  	s10 =	sand.u32 $0x2, s10  }
0x124: {  	s10 =	sor.u32 s10, s6  }
0x125: {  	s29 =	smul.u32 $0x18700, s10;
	_ =	sdelay $0x1  }
0x126: {  	v3 =	vsub.f32 v4, v3;
	s29 =	sadd.s32 s5, s29  }
0x127: {  	s29 =	sshrl.u32 s29, $0x3  }
0x128: {  	[tilespmem:s28+$0x128D0] =	vst v3;
	s28 =	sadd.s32 s7, s29;
	s29 =	simm.s32 $0x0  }
0x129: {  	[hbm4b:s28+s29] =	stream.linear.scatter [tilespmem:s3], [sflag:$0x5], $0x1870, $0x38;
	[tilespmem:$0x172D0] =	vst v63  }
0x12a: {  	_ =	swait.ge [sflag:s26], $0x1870  }
0x12b: {  	[sflag:s26] =	ssyncset.done $0x0  }
0x12c: {  	s28 =	simm.s32 $0x100000;
	[sflag:s26] =	ssyncadd.s32 $0xFFFFE790  }
0x12d: {  	[smem:s28], [sflag:$0x0] =	smem.add.s32 $0x0  }
0x12e: {  	_ =	swait.done [sflag:s29]  }
0x12f: {  	s28 =	ssyncread [sflag:$0x0];
	_ =	sdelay $0x2  }
0x130: {  	s28 =	sadd.s32 s11, s28  }
0x131: {  	s10 =	sxor.u32 $0x1, s10;
	[sflag:s29] =	ssyncset.s32 $0x0;
	s28 =	sshll.u32 s28, $0x11  }
0x132: {  	s10 =	smul.u32 $0x18700, s10;
	[sflag:s29] =	ssyncset.done $0x0;
	s28 =	sor.u32 s28, s2  }
0x133: {  	[sflag:s28] =	ssyncadd.remote.s32 $0x1  }
0x134: {  	s10 =	sadd.s32 s5, s10;
	_ =	swait.ge [sflag:s12], $0x1  }
0x135: {  	s10 =	sshrl.u32 s10, $0x3;
	[sflag:s12] =	ssyncset.done $0x0  }
0x136: {  	s10 =	sadd.s32 s7, s10;
	[sflag:s12] =	ssyncadd.s32 $0xFFFFFFFF  }
0x137: {  	[tilespmem:s13], [sflag:$0x5] =	stream.linear.gather [hbm4b:s10+s29], $0x1870, $0x38;
	[tilespmem:$0x172D0] =	vst v63  }
0x138: {  	s10 =	smul.u32 $0xCCCCCCCD, s4  }
0x139: {  	_ =	swait.ge [sflag:s26], $0x1870  }
0x13a: {  	s28 =	simm.s32 $0x0;
	[sflag:s26] =	ssyncset.done $0x0;
	s10 =	sadd.s32 $0xCCCCCCCB, s10  }
0x13b: {  	[sflag:s26] =	ssyncadd.s32 $0xFFFFE790;
	s29 =	sshll.u32 s10, $0x1F;
	s10 =	sshrl.u32 s10, $0x1  }
0x13c: {  	s10 =	sor.u32 s29, s10;
	v3 =	vld [tilespmem:s28+$0xDF50]  }
0x13d: {  	v4 =	vld [tilespmem:s28+$0x14150];
	s29 =	simm.s32 $0x40;
	p1 =	slt.u32 s10, $0x19999999  }
.LBB2_11:
0x13e: {  	p2 =	sne.s32 s29, $0x6180;
	v5 =	vld [tilespmem:s28+$0x128D0];
	_ =	sdelay $0x3  }
0x13f: {  	v6 =	vld [tilespmem:s28+$0x11050]  }
0x140: {  	v3 =	vmul.f32 v3, v2;
	v4 =	vadd.f32 v4, v5;
	_ =	sdelay $0x1  }
0x141: {  	v4 =	vmul.f32 v4, v3  }
.Ltmp4:
0x142: {  	(pc) =	sbr.rel @p2 .LBB2_11-.Ltmp4, $4  }
0x143: {  	v5 =	vadd.f32 v4, v6  }
0x144: {  	s10 =	sshra.s32 s29, $0x2  }
0x145: {  	v3 =	vld [tilespmem:s10+$0xDF50];
	[tilespmem:s28+$0x11050] =	vst v5;
	v5 =	vpsel p1, v5, v4  }
0x146: {  	s29 =	sadd.s32 $0x40, s29;
	v4 =	vld [tilespmem:s10+$0x14150];
	[tilespmem:s28+$0x128D0] =	vst v5;
	s28 =	smov.u32 s10  }
0x147: {  	v5 =	vld [tilespmem:s28+$0x128D0];
	_ =	sdelay $0x3  }
0x148: {  	v6 =	vld [tilespmem:s28+$0x11050]  }
0x149: {  	v2 =	vmul.f32 v3, v2;
	v3 =	vadd.f32 v4, v5;
	_ =	sdelay $0x1  }
0x14a: {  	v2 =	vmul.f32 v3, v2;
	_ =	sdelay $0x1  }
0x14b: {  	v3 =	vadd.f32 v2, v6;
	_ =	sdelay $0x1  }
0x14c: {  	[tilespmem:s28+$0x11050] =	vst v3;
	v2 =	vpsel p1, v3, v2  }
0x14d: {  	[tilespmem:s28+$0x128D0] =	vst v2  }
0x14e: {  	[spmem:s15] =	stream.linear.scatter [tilespmem:s3], [sflag:$0x5], $0x1870, $0x38;
	[tilespmem:$0x172D0] =	vst v63  }
0x14f: {  	_ =	swait.ge [sflag:s24], $0x1870  }
0x150: {  	[sflag:s24] =	ssyncset.done $0x0  }
0x151: {  	[sflag:s24] =	ssyncadd.s32 $0xFFFFE790  }
0x152: {  	_ =	swait.ge [sflag:s25], $0x1870  }
0x153: {  	s4 =	sadd.s32 $0x1, s4;
	[sflag:s25] =	ssyncset.done $0x0  }
0x154: {  	p1 =	sne.s32 s4, $0x78;
	[sflag:s25] =	ssyncadd.s32 $0xFFFFE790  }
.Ltmp5:
0x155: {  	_ =	swait.ge [sflag:s26], $0x1870;
	(pc) =	sbr.rel @p1 .LBB2_8-.Ltmp5, $3  }
0x156: {  	[sflag:s26] =	ssyncset.done $0x0  }
0x157: {  	[sflag:s26] =	ssyncadd.s32 $0xFFFFE790  }
0x158: {  	[bflag:$0x0] =	sbarrier.arrive $0xFFFF;
	_ =	sdelay $0x1  }
0x159: {  	_ =	swait.ge [sflag:s22], $0x1900  }
0x15a: {  	[sflag:s22] =	ssyncset.done $0x0  }
0x15b: {  	[sflag:s22] =	ssyncadd.s32 $0xFFFFE700  }
0x15c: {  	_ =	swait.ge [sflag:s22], $0x1900  }
0x15d: {  	[sflag:s22] =	ssyncset.done $0x0  }
0x15e: {  	[sflag:s22] =	ssyncadd.s32 $0xFFFFE700  }
0x15f: {  	_ =	swait.ge [sflag:s23], $0x1900  }
0x160: {  	[sflag:s23] =	ssyncset.done $0x0  }
0x161: {  	[sflag:s23] =	ssyncadd.s32 $0xFFFFE700  }
0x162: {  	_ =	swait.ge [sflag:s23], $0x1900  }
0x163: {  	[sflag:s23] =	ssyncset.done $0x0  }
0x164: {  	s1 =	simm.s32 $0x0;
	[sflag:s23] =	ssyncadd.s32 $0xFFFFE700  }
0x165: {  	v2 =	vld [tilespmem:s1+$0xF7D0]  }
0x166: {  	s2 =	simm.s32 $0x40;
	v3 =	vld [tilespmem:s1+$0x11050]  }
.LBB2_14:
0x167: {  	_ = 	snop  }
0x168: {  	p1 =	sne.s32 s2, $0x6180  }
.Ltmp6:
0x169: {  	_ = 	snop;
	(pc) =	sbr.rel @p1 .LBB2_14-.Ltmp6, $4  }
0x16a: {  	_ = 	snop  }
0x16b: {  	s4 =	sshra.s32 s2, $0x2;
	v4 =	vmul.f32 v3, v2  }
0x16c: {  	v2 =	vld [tilespmem:s4+$0xF7D0]  }
0x16d: {  	s2 =	sadd.s32 $0x40, s2;
	v3 =	vld [tilespmem:s4+$0x11050];
	[tilespmem:s1+$0x128D0] =	vst v4;
	s1 =	smov.u32 s4  }
0x16e: {  	_ =	sdelay $0x3  }
0x16f: {  	v2 =	vmul.f32 v3, v2;
	_ =	sdelay $0x1  }
0x170: {  	s2 =	simm.s32 @!p0 $0x128D0;
	s4 =	rddreg [dreg:$0xa];
	[tilespmem:s1+$0x128D0] =	vst v2;
	s1 =	simm.s32 @!p0 $0x0  }
0x171: {  	[hbm4b:s4+s1] =	stream.linear.scatter @!p0 [tilespmem:s2], [sflag:$0x7], $0x1870, $0x38;
	[tilespmem:$0x172D0] =	vst v63  }
0x172: {  	s1 =	simm.s32 @!p0 $0x7  }
0x173: {  	_ =	swait.ge @!p0 [sflag:s1], $0x1870  }
0x174: {  	s28 =	rddreg [dreg:$0x12]  }
0x175: {  	s29 =	rddreg [dreg:$0xb];
	s4 =	sadd.s32 $0x1, s28  }
0x176: {  	p1 =	sne.s32 s4, s29  }
.Ltmp7:
0x177: {  	_ = 	snop;
	(pc) =	sbr.rel @p1 .LBB2_1-.Ltmp7, $3  }
0x178: {  	_ =	sdelay $0x1  }
0x179: {  	[sflag:s1] =	ssyncset.done @!p0 $0x0  }
0x17a: {  	[sflag:s1] =	ssyncadd.s32 @!p0 $0xFFFFE790  }
0x17b: {  	_ =	sfence.sel $0x180000  }
0x17c: {  	[bflag:$0x0] =	sbarrier.arrive $0xFFFF  }
0x17d: {  	_ =	strace $0x90000047  }
0x17e: {  	s0 =	stileid.u32;
	[bflag:$0x2] =	sbarrier.arrive $0xFFFF  }
0x17f: {  	p0 =	sne.s32 s0, $0x0;
	s0 =	rddreg [dreg:$0x5]  }
0x180: {  	s0 =	sadd.s32 @!p0 $0x100000, s0  }
0x181: {  	[sflag:s0] =	ssyncadd.tile.s32 @!p0 $0x1;
	_ =	shalt  }
.Lfunc_end2:
_tile_overlayer_lowered:
.L_overlay_start_2:
0x182: {  	(tag) =	ssettag $0x2  }
0x183: {  	s0 =	rddreg [dreg:$0x0];
	s2 =	stileid.u32  }
0x184: {  	s1 =	rddreg [dreg:$0x1];
	p0 =	sne.s32 s2, $0x0  }
0x185: {  	s3 =	rddreg [dreg:$0x2];
	[bflag:$0x3] =	sbarrier.arrive $0xFFFF;
	s2 =	simm.s32 @!p0 $0x1C07  }
0x186: {  	[timem:s3], [sflag:s2] =	dma.local @!p0 [hbm:s0], s1  }
0x187: {  	s0 =	simm.s32 @!p0 $0x7  }
0x188: {  	_ =	swait.ge @!p0 [sflag:s0], s1  }
0x189: {  	s1 =	ssub.s32 @!p0 $0x0, s1;
	[sflag:s0] =	ssyncset.done @!p0 $0x0  }
0x18a: {  	[sflag:s0] =	ssyncadd.s32 @!p0 s1  }
0x18b: {  	[bflag:$0x3] =	sbarrier.arrive $0xFFFF  }
0x18c: {  	_ =	shalt  }

</sc_bundles>
